<compile_context>
chip_gen: v7x
topology: tpu7x:2x2x1
jax: 0.10.2.dev20260603
libtpu: 0.0.44.dev20260713+nightly
codegen_flags: <defaults>
</compile_context>

<pallas_src>
import functools

import jax
import jax.numpy as jnp
from jax import lax
from jax.experimental import pallas as pl
from jax.experimental.pallas import tpu as pltpu
from jax.experimental.pallas import tpu_sc as plsc

F = 1024
D = 1024
K = 8
EPS = 1e-3
BB = 512
NH = 1
HB = BB // NH

NW = 32
CH = 4


def _dot_t(a, b):
    return jax.lax.dot_general(
        a, b, (((1,), (1,)), ((), ())), preferred_element_type=jnp.float32)


def _pursuit_body(x_ref, xs_ref, wout_ref, iout_ref):
    xs = xs_ref[...]
    xsb = xs.astype(jnp.bfloat16)
    col = jax.lax.broadcasted_iota(jnp.int32, (HB, F), 1)
    xh = [x_ref[pl.ds(h * HB, HB), :] for h in range(NH)]

    def iteration(w, x):
        residual = x - jnp.dot(w.astype(jnp.bfloat16), xsb,
                               preferred_element_type=jnp.float32)
        ip = _dot_t(residual.astype(jnp.bfloat16), xsb)
        idx = jnp.argmax(ip, axis=1)[:, None]
        mask = (w != 0.0) | (col == idx)
        grad = jnp.where(mask, ip, 0.0)
        c = jnp.dot(grad.astype(jnp.bfloat16), xsb,
                    preferred_element_type=jnp.float32)
        num = jnp.sum(c * residual, axis=1, keepdims=True)
        den = jnp.sum(c * c, axis=1, keepdims=True)
        step = num / jnp.maximum(den, EPS)
        return jax.nn.relu(w + step * grad)

    def body(t, ws):
        return tuple(iteration(w, x) for w, x in zip(ws, xh))

    ws = jax.lax.fori_loop(
        0, K, body, tuple(jnp.zeros((HB, F), jnp.float32) for _ in range(NH)))

    for h in range(NH):
        w = ws[h]
        rows = pl.ds(h * HB, HB)
        vals, inds = [], []
        for _ in range(K):
            mx = jnp.max(w, axis=1, keepdims=True)
            idx = jnp.min(jnp.where(w == mx, col, F), axis=1, keepdims=True)
            vals.append(mx)
            inds.append(idx)
            w = jnp.where(col == idx, -1.0, w)
        wout_ref[rows, :] = jnp.concatenate(vals, axis=1)
        iout_ref[rows, :] = jnp.concatenate(inds, axis=1)


def _make_decode(B):
    RPW = B // NW
    NCH = RPW // CH
    mesh = plsc.VectorSubcoreMesh(core_axis_name="c", subcore_axis_name="s")

    @functools.partial(
        pl.kernel, mesh=mesh,
        out_type=[
            jax.ShapeDtypeStruct((B, D), jnp.float32),
            jax.ShapeDtypeStruct((B, D), jnp.float32),
            jax.ShapeDtypeStruct((B,), jnp.float32),
        ],
        scratch_types=[
            pltpu.VMEM((RPW * K,), jnp.int32),
            pltpu.VMEM((RPW * K,), jnp.float32),
            pltpu.VMEM((CH * K, D), jnp.float32),
            pltpu.VMEM((CH * K, D), jnp.float32),
            pltpu.VMEM((CH, D), jnp.float32),
            pltpu.VMEM((CH, D), jnp.float32),
            pltpu.VMEM((CH, D), jnp.float32),
            pltpu.VMEM((RPW,), jnp.float32),
            pltpu.SemaphoreType.DMA,
            pltpu.SemaphoreType.DMA,
        ],
    )
    def decode(idx_hbm, w_hbm, xs_hbm, ys_hbm, y_hbm,
               xrec_hbm, yrec_hbm, loss_hbm,
               idx_v, w_v, rx_v, ry_v, ybuf, xo, yo, lbuf, sem1, sem2):
        wid = lax.axis_index("s") * 2 + lax.axis_index("c")
        base = wid * RPW
        pltpu.sync_copy(idx_hbm.at[pl.ds(base * K, RPW * K)], idx_v)
        pltpu.sync_copy(w_hbm.at[pl.ds(base * K, RPW * K)], w_v)

        lane_ids = lax.iota(jnp.int32, 16)
        grp = 16 // CH

        def chunk_body(ci, lvec):
            row0 = base + ci * CH
            off = ci * CH * K
            cp1 = pltpu.async_copy(
                xs_hbm.at[idx_v.at[pl.ds(off, CH * K)]], rx_v, sem1)
            cp2 = pltpu.async_copy(
                ys_hbm.at[idx_v.at[pl.ds(off, CH * K)]], ry_v, sem2)
            pltpu.sync_copy(y_hbm.at[pl.ds(row0, CH)], ybuf)
            cp1.wait()
            cp2.wait()
            for p in range(CH // 2):
                wpair = w_v[pl.ds(off + p * 2 * K, 16)]
                for rr in range(2):
                    r = p * 2 + rr

                    def inner(c16, lacc):
                        sl = pl.ds(c16 * 16, 16)
                        xa = jnp.zeros((16,), jnp.float32)
                        ya = jnp.zeros((16,), jnp.float32)
                        for j in range(K):
                            wv = wpair[rr * K + j]
                            xa = xa + wv * rx_v[r * K + j, sl]
                            ya = ya + wv * ry_v[r * K + j, sl]
                        xo[r, sl] = xa
                        yo[r, sl] = ya
                        d = ya - ybuf[r, sl]
                        return lacc + d * d

                    lacc = lax.fori_loop(0, D // 16, inner,
                                         jnp.zeros((16,), jnp.float32))
                    for sh in (8, 4, 2, 1):
                        lacc = lacc + lacc.at[(lane_ids + sh) & 15].get(
                            mode="promise_in_bounds")
                    lane = (ci * CH + r) % 16
                    lvec = jnp.where(lane_ids == lane, lacc, lvec)
            pltpu.sync_copy(xo, xrec_hbm.at[pl.ds(row0, CH)])
            pltpu.sync_copy(yo, yrec_hbm.at[pl.ds(row0, CH)])

            @pl.when(ci % grp == grp - 1)
            def _():
                lbuf[pl.ds((ci // grp) * 16, 16)] = lvec

            return lvec

        lax.fori_loop(0, NCH, chunk_body, jnp.zeros((16,), jnp.float32))
        pltpu.sync_copy(lbuf, loss_hbm.at[pl.ds(base, RPW)])

    return decode


@jax.jit
def kernel(x, y, xs, ys):
    B = x.shape[0]
    nblk = B // BB
    row_blk = lambda i: (i, 0)
    fixed = lambda i: (0, 0)
    weights, indices = pl.pallas_call(
        _pursuit_body,
        grid=(nblk,),
        in_specs=[
            pl.BlockSpec((BB, D), row_blk),
            pl.BlockSpec((F, D), fixed),
        ],
        out_specs=[
            pl.BlockSpec((BB, K), row_blk),
            pl.BlockSpec((BB, K), row_blk),
        ],
        out_shape=[
            jax.ShapeDtypeStruct((B, K), jnp.float32),
            jax.ShapeDtypeStruct((B, K), jnp.int32),
        ],
    )(x, xs)
    x_rec, y_rec, losses = _make_decode(B)(
        indices.reshape(B * K), weights.reshape(B * K), xs, ys, y)
    return weights, indices, x_rec, y_rec, losses

# --- scband reference (transcript-rebuilt; emitter-appended) ---
"""Pipeline reference for scband-itda-64862596104656 (READ-ONLY COPY).

The authoritative reference and input builder live on the scoring server;
editing this copy changes nothing except your own understanding.
"""

import jax, jax.numpy as jnp
import numpy as np

B = 2048
D_MODEL = 1024
DICT_SIZE = 1024
TARGET_L0 = 8
EPS = 1e-3


def setup_inputs(seed: int = 0) -> dict:
    key = jax.random.key(seed)
    k1, k2, k3, k4 = jax.random.split(key, 4)
    x = jax.random.normal(k1, (B, D_MODEL), dtype=jnp.float32)
    y = jax.random.normal(k2, (B, D_MODEL), dtype=jnp.float32)
    # learned dictionary atoms (module populates these via .step(); we materialize a
    # fully-populated dictionary of size start_size, unit-normalized as the module does)
    xs_raw = jax.random.normal(k3, (DICT_SIZE, D_MODEL), dtype=jnp.float32)
    ys_raw = jax.random.normal(k4, (DICT_SIZE, D_MODEL), dtype=jnp.float32)
    xnorm = jnp.linalg.norm(xs_raw, axis=-1, keepdims=True)
    xs = xs_raw / xnorm
    ys = ys_raw / xnorm
    return {"x": x, "y": y, "xs": xs, "ys": ys}


def grad_pursuit_update_step(signal, weights, dictionary, eps=EPS):
    # residual: [b, v]
    residual = signal - jnp.einsum('fv,bf->bv', dictionary, weights)
    selected_features = (weights != 0)
    inner_products = jnp.einsum('fv,bv->bf', dictionary, residual)
    idx = jnp.argmax(inner_products, axis=1)
    selected_features = selected_features.at[jnp.arange(weights.shape[0]), idx].set(True)
    grad = selected_features.astype(inner_products.dtype) * inner_products
    c = jnp.einsum('bf,fv->bv', grad, dictionary)
    c_square_norm = jnp.einsum('bv,bv->b', c, c)
    step_size = jnp.einsum('bv,bv->b', c, residual) / jnp.maximum(c_square_norm, jnp.full_like(c_square_norm, eps))
    weights = weights + step_size[:, None] * grad
    weights = jax.nn.relu(weights)
    return weights


def grad_pursuit(signal, dictionary, target_l0):
    weights = jnp.zeros((signal.shape[0], dictionary.shape[0]), dtype=signal.dtype)
    for _ in range(target_l0):
        weights = grad_pursuit_update_step(signal, weights, dictionary)
    return jax.lax.top_k(weights, target_l0)


def decoder_impl(indices, weights, dictionary):
    # embedding-bag sum: gather dictionary rows then weighted sum over the bag dim
    gathered = jnp.take(dictionary, indices, axis=0)  # [b, k, v]
    return jnp.einsum('bk,bkv->bv', weights, gathered)


def reference(x, y, xs, ys):
    weights, indices = grad_pursuit(x, xs, TARGET_L0)
    x_reconstructed = decoder_impl(indices, weights, xs)
    y_reconstructed = decoder_impl(indices, weights, ys)
    losses = jnp.sum((y_reconstructed - y) ** 2, axis=-1)
    return weights, indices, x_reconstructed, y_reconstructed, losses

if __name__ == "__main__":
    import jax
    _d = setup_inputs()
    print(jax.jit(kernel)(*tuple(_d.values())))

</pallas_src>

<mosaic_0001>
#map = affine_map<(d0, d1) -> (0)>
#map1 = affine_map<(d0, d1) -> (0, 0)>
module attributes {stable_mosaic.version = 14 : i64} {
  func.func @decode(%arg0: i32, %arg1: i32, %arg2: memref<16384xi32, #tpu.memory_space<hbm>>, %arg3: memref<16384xf32, #tpu.memory_space<hbm>>, %arg4: memref<1024x1024xf32, #tpu.memory_space<hbm>>, %arg5: memref<1024x1024xf32, #tpu.memory_space<hbm>>, %arg6: memref<2048x1024xf32, #tpu.memory_space<hbm>>, %arg7: memref<2048x1024xf32, #tpu.memory_space<hbm>>, %arg8: memref<2048x1024xf32, #tpu.memory_space<hbm>>, %arg9: memref<2048xf32, #tpu.memory_space<hbm>>, %arg10: memref<512xi32, #tpu.memory_space<vmem>>, %arg11: memref<512xf32, #tpu.memory_space<vmem>>, %arg12: memref<32x1024xf32, #tpu.memory_space<vmem>>, %arg13: memref<32x1024xf32, #tpu.memory_space<vmem>>, %arg14: memref<4x1024xf32, #tpu.memory_space<vmem>>, %arg15: memref<4x1024xf32, #tpu.memory_space<vmem>>, %arg16: memref<4x1024xf32, #tpu.memory_space<vmem>>, %arg17: memref<64xf32, #tpu.memory_space<vmem>>, %arg18: memref<!tpu.dma_semaphore, #tpu.memory_space<semaphore_mem>>, %arg19: memref<!tpu.dma_semaphore, #tpu.memory_space<semaphore_mem>>) attributes {dimension_semantics = [#tpu.dimension_semantics<core_parallel>, #tpu.dimension_semantics<subcore_parallel>], iteration_bounds = array<i64: 2, 16>, scalar_prefetch = 0 : i64, scratch_operands = 10 : i64, tpu.core_type = #tpu.core_type<sc_vector_subcore>, window_params = [{transform_indices = #map}, {transform_indices = #map}, {transform_indices = #map1}, {transform_indices = #map1}, {transform_indices = #map1}, {transform_indices = #map1}, {transform_indices = #map1}, {transform_indices = #map}]} {
    %mul3A = arith.constant 2 : i32
    %mul3A_0 = arith.muli %arg1, %mul3A : i32
    %add3A = arith.addi %mul3A_0, %arg0 : i32
    %mul3A_1 = arith.constant 64 : i32
    %mul3A_2 = arith.muli %add3A, %mul3A_1 : i32
    %mul3A_3 = arith.constant 8 : i32
    %mul3A_4 = arith.muli %mul3A_2, %mul3A_3 : i32
    "tpu.region"() ({
      %run_scoped3A = tpu.sem_alloc : memref<!tpu.dma_semaphore, #tpu.memory_space<semaphore_mem>>
      %dma_start3A = tpu.memref_slice %arg2[%mul3A_4] : memref<16384xi32, #tpu.memory_space<hbm>> -> memref<512xi32, #tpu.memory_space<hbm>>
      %dma_start3A_13 = tpu.memref_slice %arg2[%mul3A_4] : memref<16384xi32, #tpu.memory_space<hbm>> -> memref<512xi32, #tpu.memory_space<hbm>>
      tpu.enqueue_dma source(%dma_start3A_13 : memref<512xi32, #tpu.memory_space<hbm>>) target(%arg10 : memref<512xi32, #tpu.memory_space<vmem>>) target_semaphore(%run_scoped3A : memref<!tpu.dma_semaphore, #tpu.memory_space<semaphore_mem>>)
      %dma_wait3A = tpu.memref_slice %arg2[%mul3A_4] : memref<16384xi32, #tpu.memory_space<hbm>> -> memref<512xi32, #tpu.memory_space<hbm>>
      %dma_wait3A_14 = tpu.memref_slice %arg2[%mul3A_4] : memref<16384xi32, #tpu.memory_space<hbm>> -> memref<512xi32, #tpu.memory_space<hbm>>
      tpu.wait_dma2 semaphore(%run_scoped3A : memref<!tpu.dma_semaphore, #tpu.memory_space<semaphore_mem>>) src(%dma_wait3A_14 : memref<512xi32, #tpu.memory_space<hbm>>) dst(%arg10 : memref<512xi32, #tpu.memory_space<vmem>>)
      tpu.yield
    }) : () -> ()
    %mul3A_5 = arith.constant 8 : i32
    %mul3A_6 = arith.muli %mul3A_2, %mul3A_5 : i32
    "tpu.region"() ({
      %run_scoped3A = tpu.sem_alloc : memref<!tpu.dma_semaphore, #tpu.memory_space<semaphore_mem>>
      %dma_start3A = tpu.memref_slice %arg3[%mul3A_6] : memref<16384xf32, #tpu.memory_space<hbm>> -> memref<512xf32, #tpu.memory_space<hbm>>
      %dma_start3A_13 = tpu.memref_slice %arg3[%mul3A_6] : memref<16384xf32, #tpu.memory_space<hbm>> -> memref<512xf32, #tpu.memory_space<hbm>>
      tpu.enqueue_dma source(%dma_start3A_13 : memref<512xf32, #tpu.memory_space<hbm>>) target(%arg11 : memref<512xf32, #tpu.memory_space<vmem>>) target_semaphore(%run_scoped3A : memref<!tpu.dma_semaphore, #tpu.memory_space<semaphore_mem>>)
      %dma_wait3A = tpu.memref_slice %arg3[%mul3A_6] : memref<16384xf32, #tpu.memory_space<hbm>> -> memref<512xf32, #tpu.memory_space<hbm>>
      %dma_wait3A_14 = tpu.memref_slice %arg3[%mul3A_6] : memref<16384xf32, #tpu.memory_space<hbm>> -> memref<512xf32, #tpu.memory_space<hbm>>
      tpu.wait_dma2 semaphore(%run_scoped3A : memref<!tpu.dma_semaphore, #tpu.memory_space<semaphore_mem>>) src(%dma_wait3A_14 : memref<512xf32, #tpu.memory_space<hbm>>) dst(%arg11 : memref<512xf32, #tpu.memory_space<vmem>>)
      tpu.yield
    }) : () -> ()
    %iota3A = tpu.iota {dimensions = array<i32: 0>} : vector<16xi32>
    %broadcast_in_dim3A = arith.constant 0.000000e+00 : f32
    %broadcast_in_dim3A_7 = vector.broadcast %broadcast_in_dim3A : f32 to vector<16xf32>
    %scan3A = arith.constant 0 : i32
    %scan3A_8 = arith.constant 16 : i32
    %scan3A_9 = arith.addi %scan3A, %scan3A_8 : i32
    %scan3A_10 = arith.constant 1 : i32
    %scan3A_11 = scf.for %scan3A_13 = %scan3A to %scan3A_9 step %scan3A_10 iter_args(%scan3A_14 = %broadcast_in_dim3A_7) -> (vector<16xf32>)  : i32 {
      %mul3A_15 = arith.constant 4 : i32
      %mul3A_16 = arith.muli %scan3A_13, %mul3A_15 : i32
      %add3A_17 = arith.addi %mul3A_2, %mul3A_16 : i32
      %mul3A_18 = arith.constant 4 : i32
      %mul3A_19 = arith.muli %scan3A_13, %mul3A_18 : i32
      %mul3A_20 = arith.constant 8 : i32
      %mul3A_21 = arith.muli %mul3A_19, %mul3A_20 : i32
      %dma_start3A = tpu.memref_slice %arg10[%mul3A_21] : memref<512xi32, #tpu.memory_space<vmem>> -> memref<32xi32, #tpu.memory_space<vmem>>
      %dma_start3A_22 = arith.constant 0 : i32
      %dma_start3A_23 = arith.constant 0 : i32
      %dma_start3A_24 = tpu.memref_slice %arg4[%dma_start3A_22, %dma_start3A_23] : memref<1024x1024xf32, #tpu.memory_space<hbm>> -> memref<1024x1024xf32, #tpu.memory_space<hbm>>
      tpu.enqueue_indirect_dma source(%dma_start3A_24 : memref<1024x1024xf32, #tpu.memory_space<hbm>>) target(%arg12 : memref<32x1024xf32, #tpu.memory_space<vmem>>) offsets(%dma_start3A : memref<32xi32, #tpu.memory_space<vmem>>) semaphore(%arg18 : memref<!tpu.dma_semaphore, #tpu.memory_space<semaphore_mem>>)
      %dma_start3A_25 = tpu.memref_slice %arg10[%mul3A_21] : memref<512xi32, #tpu.memory_space<vmem>> -> memref<32xi32, #tpu.memory_space<vmem>>
      %dma_start3A_26 = arith.constant 0 : i32
      %dma_start3A_27 = arith.constant 0 : i32
      %dma_start3A_28 = tpu.memref_slice %arg5[%dma_start3A_26, %dma_start3A_27] : memref<1024x1024xf32, #tpu.memory_space<hbm>> -> memref<1024x1024xf32, #tpu.memory_space<hbm>>
      tpu.enqueue_indirect_dma source(%dma_start3A_28 : memref<1024x1024xf32, #tpu.memory_space<hbm>>) target(%arg13 : memref<32x1024xf32, #tpu.memory_space<vmem>>) offsets(%dma_start3A_25 : memref<32xi32, #tpu.memory_space<vmem>>) semaphore(%arg19 : memref<!tpu.dma_semaphore, #tpu.memory_space<semaphore_mem>>)
      "tpu.region"() ({
        %run_scoped3A = tpu.sem_alloc : memref<!tpu.dma_semaphore, #tpu.memory_space<semaphore_mem>>
        %dma_start3A_452 = arith.constant 0 : i32
        %dma_start3A_453 = tpu.memref_slice %arg6[%add3A_17, %dma_start3A_452] : memref<2048x1024xf32, #tpu.memory_space<hbm>> -> memref<4x1024xf32, #tpu.memory_space<hbm>>
        %dma_start3A_454 = arith.constant 0 : i32
        %dma_start3A_455 = tpu.memref_slice %arg6[%add3A_17, %dma_start3A_454] : memref<2048x1024xf32, #tpu.memory_space<hbm>> -> memref<4x1024xf32, #tpu.memory_space<hbm>>
        tpu.enqueue_dma source(%dma_start3A_455 : memref<4x1024xf32, #tpu.memory_space<hbm>>) target(%arg14 : memref<4x1024xf32, #tpu.memory_space<vmem>>) target_semaphore(%run_scoped3A : memref<!tpu.dma_semaphore, #tpu.memory_space<semaphore_mem>>)
        %dma_wait3A_456 = arith.constant 0 : i32
        %dma_wait3A_457 = tpu.memref_slice %arg6[%add3A_17, %dma_wait3A_456] : memref<2048x1024xf32, #tpu.memory_space<hbm>> -> memref<4x1024xf32, #tpu.memory_space<hbm>>
        %dma_wait3A_458 = arith.constant 0 : i32
        %dma_wait3A_459 = tpu.memref_slice %arg6[%add3A_17, %dma_wait3A_458] : memref<2048x1024xf32, #tpu.memory_space<hbm>> -> memref<4x1024xf32, #tpu.memory_space<hbm>>
        tpu.wait_dma2 semaphore(%run_scoped3A : memref<!tpu.dma_semaphore, #tpu.memory_space<semaphore_mem>>) src(%dma_wait3A_459 : memref<4x1024xf32, #tpu.memory_space<hbm>>) dst(%arg14 : memref<4x1024xf32, #tpu.memory_space<vmem>>)
        tpu.yield
      }) : () -> ()
      %dma_wait3A = tpu.memref_slice %arg10[%mul3A_21] : memref<512xi32, #tpu.memory_space<vmem>> -> memref<32xi32, #tpu.memory_space<vmem>>
      %dma_wait3A_29 = arith.constant 0 : i32
      %dma_wait3A_30 = arith.constant 0 : i32
      %dma_wait3A_31 = tpu.memref_slice %arg4[%dma_wait3A_29, %dma_wait3A_30] : memref<1024x1024xf32, #tpu.memory_space<hbm>> -> memref<1024x1024xf32, #tpu.memory_space<hbm>>
      tpu.wait_indirect_dma semaphore(%arg18 : memref<!tpu.dma_semaphore, #tpu.memory_space<semaphore_mem>>) src(%dma_wait3A_31 : memref<1024x1024xf32, #tpu.memory_space<hbm>>) dst(%arg12 : memref<32x1024xf32, #tpu.memory_space<vmem>>)
      %dma_wait3A_32 = tpu.memref_slice %arg10[%mul3A_21] : memref<512xi32, #tpu.memory_space<vmem>> -> memref<32xi32, #tpu.memory_space<vmem>>
      %dma_wait3A_33 = arith.constant 0 : i32
      %dma_wait3A_34 = arith.constant 0 : i32
      %dma_wait3A_35 = tpu.memref_slice %arg5[%dma_wait3A_33, %dma_wait3A_34] : memref<1024x1024xf32, #tpu.memory_space<hbm>> -> memref<1024x1024xf32, #tpu.memory_space<hbm>>
      tpu.wait_indirect_dma semaphore(%arg19 : memref<!tpu.dma_semaphore, #tpu.memory_space<semaphore_mem>>) src(%dma_wait3A_35 : memref<1024x1024xf32, #tpu.memory_space<hbm>>) dst(%arg13 : memref<32x1024xf32, #tpu.memory_space<vmem>>)
      %add3A_36 = arith.constant 0 : i32
      %add3A_37 = arith.addi %mul3A_21, %add3A_36 : i32
      %get3A = arith.index_cast %add3A_37 : i32 to index
      %get3A_38 = tpu.vector_load %arg11[%get3A] {strides = array<i32>} : memref<512xf32, #tpu.memory_space<vmem>>, vector<16xf32>,
      %get3A_39 = vector.shape_cast %get3A_38 : vector<16xf32> to vector<16xf32>
      %broadcast_in_dim3A_40 = arith.constant 0.000000e+00 : f32
      %broadcast_in_dim3A_41 = vector.broadcast %broadcast_in_dim3A_40 : f32 to vector<16xf32>
      %scan3A_42 = arith.constant 0 : i32
      %scan3A_43 = arith.constant 64 : i32
      %scan3A_44 = arith.addi %scan3A_42, %scan3A_43 : i32
      %scan3A_45 = arith.constant 1 : i32
      %scan3A_46 = scf.for %scan3A_452 = %scan3A_42 to %scan3A_44 step %scan3A_45 iter_args(%scan3A_453 = %broadcast_in_dim3A_41) -> (vector<16xf32>)  : i32 {
        %mul3A_454 = arith.constant 16 : i32
        %mul3A_455 = arith.muli %scan3A_452, %mul3A_454 : i32
        %broadcast_in_dim3A_456 = arith.constant 0.000000e+00 : f32
        %broadcast_in_dim3A_457 = vector.broadcast %broadcast_in_dim3A_456 : f32 to vector<16xf32>
        %broadcast_in_dim3A_458 = arith.constant 0.000000e+00 : f32
        %broadcast_in_dim3A_459 = vector.broadcast %broadcast_in_dim3A_458 : f32 to vector<16xf32>
        %slice3A = vector.extract_strided_slice %get3A_39 {offsets = [0], sizes = [1], strides = [1]} : vector<16xf32> to vector<1xf32>
        %squeeze3A = vector.extract %slice3A[0] : f32 from vector<1xf32>
        %get3A_460 = arith.constant 0 : i32
        %get3A_461 = arith.index_cast %get3A_460 : i32 to index
        %get3A_462 = arith.index_cast %mul3A_455 : i32 to index
        %get3A_463 = tpu.vector_load %arg12[%get3A_461, %get3A_462] {strides = array<i32>} : memref<32x1024xf32, #tpu.memory_space<vmem>>, vector<1x16xf32>,
        %get3A_464 = vector.shape_cast %get3A_463 : vector<1x16xf32> to vector<16xf32>
        %mul3A_465 = vector.broadcast %squeeze3A : f32 to vector<16xf32>
        %mul3A_466 = arith.mulf %mul3A_465, %get3A_464 : vector<16xf32>
        %add3A_467 = arith.addf %broadcast_in_dim3A_457, %mul3A_466 : vector<16xf32>
        %get3A_468 = arith.constant 0 : i32
        %get3A_469 = arith.index_cast %get3A_468 : i32 to index
        %get3A_470 = arith.index_cast %mul3A_455 : i32 to index
        %get3A_471 = tpu.vector_load %arg13[%get3A_469, %get3A_470] {strides = array<i32>} : memref<32x1024xf32, #tpu.memory_space<vmem>>, vector<1x16xf32>,
        %get3A_472 = vector.shape_cast %get3A_471 : vector<1x16xf32> to vector<16xf32>
        %mul3A_473 = vector.broadcast %squeeze3A : f32 to vector<16xf32>
        %mul3A_474 = arith.mulf %mul3A_473, %get3A_472 : vector<16xf32>
        %add3A_475 = arith.addf %broadcast_in_dim3A_459, %mul3A_474 : vector<16xf32>
        %slice3A_476 = vector.extract_strided_slice %get3A_39 {offsets = [1], sizes = [1], strides = [1]} : vector<16xf32> to vector<1xf32>
        %squeeze3A_477 = vector.extract %slice3A_476[0] : f32 from vector<1xf32>
        %get3A_478 = arith.constant 1 : i32
        %get3A_479 = arith.index_cast %get3A_478 : i32 to index
        %get3A_480 = arith.index_cast %mul3A_455 : i32 to index
        %get3A_481 = tpu.vector_load %arg12[%get3A_479, %get3A_480] {strides = array<i32>} : memref<32x1024xf32, #tpu.memory_space<vmem>>, vector<1x16xf32>,
        %get3A_482 = vector.shape_cast %get3A_481 : vector<1x16xf32> to vector<16xf32>
        %mul3A_483 = vector.broadcast %squeeze3A_477 : f32 to vector<16xf32>
        %mul3A_484 = arith.mulf %mul3A_483, %get3A_482 : vector<16xf32>
        %add3A_485 = arith.addf %add3A_467, %mul3A_484 : vector<16xf32>
        %get3A_486 = arith.constant 1 : i32
        %get3A_487 = arith.index_cast %get3A_486 : i32 to index
        %get3A_488 = arith.index_cast %mul3A_455 : i32 to index
        %get3A_489 = tpu.vector_load %arg13[%get3A_487, %get3A_488] {strides = array<i32>} : memref<32x1024xf32, #tpu.memory_space<vmem>>, vector<1x16xf32>,
        %get3A_490 = vector.shape_cast %get3A_489 : vector<1x16xf32> to vector<16xf32>
        %mul3A_491 = vector.broadcast %squeeze3A_477 : f32 to vector<16xf32>
        %mul3A_492 = arith.mulf %mul3A_491, %get3A_490 : vector<16xf32>
        %add3A_493 = arith.addf %add3A_475, %mul3A_492 : vector<16xf32>
        %slice3A_494 = vector.extract_strided_slice %get3A_39 {offsets = [2], sizes = [1], strides = [1]} : vector<16xf32> to vector<1xf32>
        %squeeze3A_495 = vector.extract %slice3A_494[0] : f32 from vector<1xf32>
        %get3A_496 = arith.constant 2 : i32
        %get3A_497 = arith.index_cast %get3A_496 : i32 to index
        %get3A_498 = arith.index_cast %mul3A_455 : i32 to index
        %get3A_499 = tpu.vector_load %arg12[%get3A_497, %get3A_498] {strides = array<i32>} : memref<32x1024xf32, #tpu.memory_space<vmem>>, vector<1x16xf32>,
        %get3A_500 = vector.shape_cast %get3A_499 : vector<1x16xf32> to vector<16xf32>
        %mul3A_501 = vector.broadcast %squeeze3A_495 : f32 to vector<16xf32>
        %mul3A_502 = arith.mulf %mul3A_501, %get3A_500 : vector<16xf32>
        %add3A_503 = arith.addf %add3A_485, %mul3A_502 : vector<16xf32>
        %get3A_504 = arith.constant 2 : i32
        %get3A_505 = arith.index_cast %get3A_504 : i32 to index
        %get3A_506 = arith.index_cast %mul3A_455 : i32 to index
        %get3A_507 = tpu.vector_load %arg13[%get3A_505, %get3A_506] {strides = array<i32>} : memref<32x1024xf32, #tpu.memory_space<vmem>>, vector<1x16xf32>,
        %get3A_508 = vector.shape_cast %get3A_507 : vector<1x16xf32> to vector<16xf32>
        %mul3A_509 = vector.broadcast %squeeze3A_495 : f32 to vector<16xf32>
        %mul3A_510 = arith.mulf %mul3A_509, %get3A_508 : vector<16xf32>
        %add3A_511 = arith.addf %add3A_493, %mul3A_510 : vector<16xf32>
        %slice3A_512 = vector.extract_strided_slice %get3A_39 {offsets = [3], sizes = [1], strides = [1]} : vector<16xf32> to vector<1xf32>
        %squeeze3A_513 = vector.extract %slice3A_512[0] : f32 from vector<1xf32>
        %get3A_514 = arith.constant 3 : i32
        %get3A_515 = arith.index_cast %get3A_514 : i32 to index
        %get3A_516 = arith.index_cast %mul3A_455 : i32 to index
        %get3A_517 = tpu.vector_load %arg12[%get3A_515, %get3A_516] {strides = array<i32>} : memref<32x1024xf32, #tpu.memory_space<vmem>>, vector<1x16xf32>,
        %get3A_518 = vector.shape_cast %get3A_517 : vector<1x16xf32> to vector<16xf32>
        %mul3A_519 = vector.broadcast %squeeze3A_513 : f32 to vector<16xf32>
        %mul3A_520 = arith.mulf %mul3A_519, %get3A_518 : vector<16xf32>
        %add3A_521 = arith.addf %add3A_503, %mul3A_520 : vector<16xf32>
        %get3A_522 = arith.constant 3 : i32
        %get3A_523 = arith.index_cast %get3A_522 : i32 to index
        %get3A_524 = arith.index_cast %mul3A_455 : i32 to index
        %get3A_525 = tpu.vector_load %arg13[%get3A_523, %get3A_524] {strides = array<i32>} : memref<32x1024xf32, #tpu.memory_space<vmem>>, vector<1x16xf32>,
        %get3A_526 = vector.shape_cast %get3A_525 : vector<1x16xf32> to vector<16xf32>
        %mul3A_527 = vector.broadcast %squeeze3A_513 : f32 to vector<16xf32>
        %mul3A_528 = arith.mulf %mul3A_527, %get3A_526 : vector<16xf32>
        %add3A_529 = arith.addf %add3A_511, %mul3A_528 : vector<16xf32>
        %slice3A_530 = vector.extract_strided_slice %get3A_39 {offsets = [4], sizes = [1], strides = [1]} : vector<16xf32> to vector<1xf32>
        %squeeze3A_531 = vector.extract %slice3A_530[0] : f32 from vector<1xf32>
        %get3A_532 = arith.constant 4 : i32
        %get3A_533 = arith.index_cast %get3A_532 : i32 to index
        %get3A_534 = arith.index_cast %mul3A_455 : i32 to index
        %get3A_535 = tpu.vector_load %arg12[%get3A_533, %get3A_534] {strides = array<i32>} : memref<32x1024xf32, #tpu.memory_space<vmem>>, vector<1x16xf32>,
        %get3A_536 = vector.shape_cast %get3A_535 : vector<1x16xf32> to vector<16xf32>
        %mul3A_537 = vector.broadcast %squeeze3A_531 : f32 to vector<16xf32>
        %mul3A_538 = arith.mulf %mul3A_537, %get3A_536 : vector<16xf32>
        %add3A_539 = arith.addf %add3A_521, %mul3A_538 : vector<16xf32>
        %get3A_540 = arith.constant 4 : i32
        %get3A_541 = arith.index_cast %get3A_540 : i32 to index
        %get3A_542 = arith.index_cast %mul3A_455 : i32 to index
        %get3A_543 = tpu.vector_load %arg13[%get3A_541, %get3A_542] {strides = array<i32>} : memref<32x1024xf32, #tpu.memory_space<vmem>>, vector<1x16xf32>,
        %get3A_544 = vector.shape_cast %get3A_543 : vector<1x16xf32> to vector<16xf32>
        %mul3A_545 = vector.broadcast %squeeze3A_531 : f32 to vector<16xf32>
        %mul3A_546 = arith.mulf %mul3A_545, %get3A_544 : vector<16xf32>
        %add3A_547 = arith.addf %add3A_529, %mul3A_546 : vector<16xf32>
        %slice3A_548 = vector.extract_strided_slice %get3A_39 {offsets = [5], sizes = [1], strides = [1]} : vector<16xf32> to vector<1xf32>
        %squeeze3A_549 = vector.extract %slice3A_548[0] : f32 from vector<1xf32>
        %get3A_550 = arith.constant 5 : i32
        %get3A_551 = arith.index_cast %get3A_550 : i32 to index
        %get3A_552 = arith.index_cast %mul3A_455 : i32 to index
        %get3A_553 = tpu.vector_load %arg12[%get3A_551, %get3A_552] {strides = array<i32>} : memref<32x1024xf32, #tpu.memory_space<vmem>>, vector<1x16xf32>,
        %get3A_554 = vector.shape_cast %get3A_553 : vector<1x16xf32> to vector<16xf32>
        %mul3A_555 = vector.broadcast %squeeze3A_549 : f32 to vector<16xf32>
        %mul3A_556 = arith.mulf %mul3A_555, %get3A_554 : vector<16xf32>
        %add3A_557 = arith.addf %add3A_539, %mul3A_556 : vector<16xf32>
        %get3A_558 = arith.constant 5 : i32
        %get3A_559 = arith.index_cast %get3A_558 : i32 to index
        %get3A_560 = arith.index_cast %mul3A_455 : i32 to index
        %get3A_561 = tpu.vector_load %arg13[%get3A_559, %get3A_560] {strides = array<i32>} : memref<32x1024xf32, #tpu.memory_space<vmem>>, vector<1x16xf32>,
        %get3A_562 = vector.shape_cast %get3A_561 : vector<1x16xf32> to vector<16xf32>
        %mul3A_563 = vector.broadcast %squeeze3A_549 : f32 to vector<16xf32>
        %mul3A_564 = arith.mulf %mul3A_563, %get3A_562 : vector<16xf32>
        %add3A_565 = arith.addf %add3A_547, %mul3A_564 : vector<16xf32>
        %slice3A_566 = vector.extract_strided_slice %get3A_39 {offsets = [6], sizes = [1], strides = [1]} : vector<16xf32> to vector<1xf32>
        %squeeze3A_567 = vector.extract %slice3A_566[0] : f32 from vector<1xf32>
        %get3A_568 = arith.constant 6 : i32
        %get3A_569 = arith.index_cast %get3A_568 : i32 to index
        %get3A_570 = arith.index_cast %mul3A_455 : i32 to index
        %get3A_571 = tpu.vector_load %arg12[%get3A_569, %get3A_570] {strides = array<i32>} : memref<32x1024xf32, #tpu.memory_space<vmem>>, vector<1x16xf32>,
        %get3A_572 = vector.shape_cast %get3A_571 : vector<1x16xf32> to vector<16xf32>
        %mul3A_573 = vector.broadcast %squeeze3A_567 : f32 to vector<16xf32>
        %mul3A_574 = arith.mulf %mul3A_573, %get3A_572 : vector<16xf32>
        %add3A_575 = arith.addf %add3A_557, %mul3A_574 : vector<16xf32>
        %get3A_576 = arith.constant 6 : i32
        %get3A_577 = arith.index_cast %get3A_576 : i32 to index
        %get3A_578 = arith.index_cast %mul3A_455 : i32 to index
        %get3A_579 = tpu.vector_load %arg13[%get3A_577, %get3A_578] {strides = array<i32>} : memref<32x1024xf32, #tpu.memory_space<vmem>>, vector<1x16xf32>,
        %get3A_580 = vector.shape_cast %get3A_579 : vector<1x16xf32> to vector<16xf32>
        %mul3A_581 = vector.broadcast %squeeze3A_567 : f32 to vector<16xf32>
        %mul3A_582 = arith.mulf %mul3A_581, %get3A_580 : vector<16xf32>
        %add3A_583 = arith.addf %add3A_565, %mul3A_582 : vector<16xf32>
        %slice3A_584 = vector.extract_strided_slice %get3A_39 {offsets = [7], sizes = [1], strides = [1]} : vector<16xf32> to vector<1xf32>
        %squeeze3A_585 = vector.extract %slice3A_584[0] : f32 from vector<1xf32>
        %get3A_586 = arith.constant 7 : i32
        %get3A_587 = arith.index_cast %get3A_586 : i32 to index
        %get3A_588 = arith.index_cast %mul3A_455 : i32 to index
        %get3A_589 = tpu.vector_load %arg12[%get3A_587, %get3A_588] {strides = array<i32>} : memref<32x1024xf32, #tpu.memory_space<vmem>>, vector<1x16xf32>,
        %get3A_590 = vector.shape_cast %get3A_589 : vector<1x16xf32> to vector<16xf32>
        %mul3A_591 = vector.broadcast %squeeze3A_585 : f32 to vector<16xf32>
        %mul3A_592 = arith.mulf %mul3A_591, %get3A_590 : vector<16xf32>
        %add3A_593 = arith.addf %add3A_575, %mul3A_592 : vector<16xf32>
        %get3A_594 = arith.constant 7 : i32
        %get3A_595 = arith.index_cast %get3A_594 : i32 to index
        %get3A_596 = arith.index_cast %mul3A_455 : i32 to index
        %get3A_597 = tpu.vector_load %arg13[%get3A_595, %get3A_596] {strides = array<i32>} : memref<32x1024xf32, #tpu.memory_space<vmem>>, vector<1x16xf32>,
        %get3A_598 = vector.shape_cast %get3A_597 : vector<1x16xf32> to vector<16xf32>
        %mul3A_599 = vector.broadcast %squeeze3A_585 : f32 to vector<16xf32>
        %mul3A_600 = arith.mulf %mul3A_599, %get3A_598 : vector<16xf32>
        %add3A_601 = arith.addf %add3A_583, %mul3A_600 : vector<16xf32>
        %swap3A = arith.constant 0 : i32
        %swap3A_602 = arith.index_cast %swap3A : i32 to index
        %swap3A_603 = arith.index_cast %mul3A_455 : i32 to index
        %swap3A_604 = tpu.vector_load %arg15[%swap3A_602, %swap3A_603] {strides = array<i32>} : memref<4x1024xf32, #tpu.memory_space<vmem>>, vector<1x16xf32>,
        %swap3A_605 = vector.shape_cast %swap3A_604 : vector<1x16xf32> to vector<16xf32>
        %swap3A_606 = vector.shape_cast %add3A_593 : vector<16xf32> to vector<1x16xf32>
        tpu.vector_store %arg15[%swap3A_602, %swap3A_603], %swap3A_606 {strides = array<i32>} : memref<4x1024xf32, #tpu.memory_space<vmem>>, vector<1x16xf32>,
        %swap3A_607 = arith.constant 0 : i32
        %swap3A_608 = arith.index_cast %swap3A_607 : i32 to index
        %swap3A_609 = arith.index_cast %mul3A_455 : i32 to index
        %swap3A_610 = tpu.vector_load %arg16[%swap3A_608, %swap3A_609] {strides = array<i32>} : memref<4x1024xf32, #tpu.memory_space<vmem>>, vector<1x16xf32>,
        %swap3A_611 = vector.shape_cast %swap3A_610 : vector<1x16xf32> to vector<16xf32>
        %swap3A_612 = vector.shape_cast %add3A_601 : vector<16xf32> to vector<1x16xf32>
        tpu.vector_store %arg16[%swap3A_608, %swap3A_609], %swap3A_612 {strides = array<i32>} : memref<4x1024xf32, #tpu.memory_space<vmem>>, vector<1x16xf32>,
        %get3A_613 = arith.constant 0 : i32
        %get3A_614 = arith.index_cast %get3A_613 : i32 to index
        %get3A_615 = arith.index_cast %mul3A_455 : i32 to index
        %get3A_616 = tpu.vector_load %arg14[%get3A_614, %get3A_615] {strides = array<i32>} : memref<4x1024xf32, #tpu.memory_space<vmem>>, vector<1x16xf32>,
        %get3A_617 = vector.shape_cast %get3A_616 : vector<1x16xf32> to vector<16xf32>
        %sub3A = arith.subf %add3A_601, %get3A_617 : vector<16xf32>
        %mul3A_618 = arith.mulf %sub3A, %sub3A : vector<16xf32>
        %add3A_619 = arith.addf %scan3A_453, %mul3A_618 : vector<16xf32>
        scf.yield %add3A_619 : vector<16xf32>
      }
      %scan3A_47 = arith.constant 64 : i32
      %add3A_48 = arith.constant 8 : i32
      %add3A_49 = vector.broadcast %add3A_48 : i32 to vector<16xi32>
      %add3A_50 = arith.addi %iota3A, %add3A_49 : vector<16xi32>
      %and3A = arith.constant 15 : i32
      %and3A_51 = vector.broadcast %and3A : i32 to vector<16xi32>
      %and3A_52 = arith.andi %add3A_50, %and3A_51 : vector<16xi32>
      %lt3A = arith.constant 0 : i32
      %lt3A_53 = vector.broadcast %lt3A : i32 to vector<16xi32>
      %lt3A_54 = arith.cmpi slt, %and3A_52, %lt3A_53 : vector<16xi32>
      %add3A_55 = arith.constant 16 : i32
      %add3A_56 = vector.broadcast %add3A_55 : i32 to vector<16xi32>
      %add3A_57 = arith.addi %and3A_52, %add3A_56 : vector<16xi32>
      %select_n3A = arith.select %lt3A_54, %add3A_57, %and3A_52 : vector<16xi1>, vector<16xi32>
      %broadcast_in_dim3A_58 = vector.shape_cast %select_n3A : vector<16xi32> to vector<16x1xi32>
      %gather3A = vector.shape_cast %broadcast_in_dim3A_58 : vector<16x1xi32> to vector<16xi32>
      %gather3A_59 = tpu.dynamic_gather %scan3A_46[%gather3A] in [0] : vector<16xf32>, vector<16xi32> -> vector<16xf32>
      %add3A_60 = arith.addf %scan3A_46, %gather3A_59 : vector<16xf32>
      %add3A_61 = arith.constant 4 : i32
      %add3A_62 = vector.broadcast %add3A_61 : i32 to vector<16xi32>
      %add3A_63 = arith.addi %iota3A, %add3A_62 : vector<16xi32>
      %and3A_64 = arith.constant 15 : i32
      %and3A_65 = vector.broadcast %and3A_64 : i32 to vector<16xi32>
      %and3A_66 = arith.andi %add3A_63, %and3A_65 : vector<16xi32>
      %lt3A_67 = arith.constant 0 : i32
      %lt3A_68 = vector.broadcast %lt3A_67 : i32 to vector<16xi32>
      %lt3A_69 = arith.cmpi slt, %and3A_66, %lt3A_68 : vector<16xi32>
      %add3A_70 = arith.constant 16 : i32
      %add3A_71 = vector.broadcast %add3A_70 : i32 to vector<16xi32>
      %add3A_72 = arith.addi %and3A_66, %add3A_71 : vector<16xi32>
      %select_n3A_73 = arith.select %lt3A_69, %add3A_72, %and3A_66 : vector<16xi1>, vector<16xi32>
      %broadcast_in_dim3A_74 = vector.shape_cast %select_n3A_73 : vector<16xi32> to vector<16x1xi32>
      %gather3A_75 = vector.shape_cast %broadcast_in_dim3A_74 : vector<16x1xi32> to vector<16xi32>
      %gather3A_76 = tpu.dynamic_gather %add3A_60[%gather3A_75] in [0] : vector<16xf32>, vector<16xi32> -> vector<16xf32>
      %add3A_77 = arith.addf %add3A_60, %gather3A_76 : vector<16xf32>
      %add3A_78 = arith.constant 2 : i32
      %add3A_79 = vector.broadcast %add3A_78 : i32 to vector<16xi32>
      %add3A_80 = arith.addi %iota3A, %add3A_79 : vector<16xi32>
      %and3A_81 = arith.constant 15 : i32
      %and3A_82 = vector.broadcast %and3A_81 : i32 to vector<16xi32>
      %and3A_83 = arith.andi %add3A_80, %and3A_82 : vector<16xi32>
      %lt3A_84 = arith.constant 0 : i32
      %lt3A_85 = vector.broadcast %lt3A_84 : i32 to vector<16xi32>
      %lt3A_86 = arith.cmpi slt, %and3A_83, %lt3A_85 : vector<16xi32>
      %add3A_87 = arith.constant 16 : i32
      %add3A_88 = vector.broadcast %add3A_87 : i32 to vector<16xi32>
      %add3A_89 = arith.addi %and3A_83, %add3A_88 : vector<16xi32>
      %select_n3A_90 = arith.select %lt3A_86, %add3A_89, %and3A_83 : vector<16xi1>, vector<16xi32>
      %broadcast_in_dim3A_91 = vector.shape_cast %select_n3A_90 : vector<16xi32> to vector<16x1xi32>
      %gather3A_92 = vector.shape_cast %broadcast_in_dim3A_91 : vector<16x1xi32> to vector<16xi32>
      %gather3A_93 = tpu.dynamic_gather %add3A_77[%gather3A_92] in [0] : vector<16xf32>, vector<16xi32> -> vector<16xf32>
      %add3A_94 = arith.addf %add3A_77, %gather3A_93 : vector<16xf32>
      %add3A_95 = arith.constant 1 : i32
      %add3A_96 = vector.broadcast %add3A_95 : i32 to vector<16xi32>
      %add3A_97 = arith.addi %iota3A, %add3A_96 : vector<16xi32>
      %and3A_98 = arith.constant 15 : i32
      %and3A_99 = vector.broadcast %and3A_98 : i32 to vector<16xi32>
      %and3A_100 = arith.andi %add3A_97, %and3A_99 : vector<16xi32>
      %lt3A_101 = arith.constant 0 : i32
      %lt3A_102 = vector.broadcast %lt3A_101 : i32 to vector<16xi32>
      %lt3A_103 = arith.cmpi slt, %and3A_100, %lt3A_102 : vector<16xi32>
      %add3A_104 = arith.constant 16 : i32
      %add3A_105 = vector.broadcast %add3A_104 : i32 to vector<16xi32>
      %add3A_106 = arith.addi %and3A_100, %add3A_105 : vector<16xi32>
      %select_n3A_107 = arith.select %lt3A_103, %add3A_106, %and3A_100 : vector<16xi1>, vector<16xi32>
      %broadcast_in_dim3A_108 = vector.shape_cast %select_n3A_107 : vector<16xi32> to vector<16x1xi32>
      %gather3A_109 = vector.shape_cast %broadcast_in_dim3A_108 : vector<16x1xi32> to vector<16xi32>
      %gather3A_110 = tpu.dynamic_gather %add3A_94[%gather3A_109] in [0] : vector<16xf32>, vector<16xi32> -> vector<16xf32>
      %add3A_111 = arith.addf %add3A_94, %gather3A_110 : vector<16xf32>
      %mul3A_112 = arith.constant 4 : i32
      %mul3A_113 = arith.muli %scan3A_13, %mul3A_112 : i32
      %add3A_114 = arith.constant 0 : i32
      %add3A_115 = arith.addi %mul3A_113, %add3A_114 : i32
      %jit3A = arith.constant 16 : i32
      %eq3A = arith.constant 0 : i32
      %eq3A_116 = arith.cmpi eq, %jit3A, %eq3A : i32
      %jit3A_117 = arith.constant 1 : i32
      %select_n3A_118 = arith.select %eq3A_116, %jit3A_117, %jit3A : i32
      %rem3A = arith.remsi %add3A_115, %select_n3A_118 : i32
      %ne3A = arith.constant 0 : i32
      %ne3A_119 = arith.cmpi ne, %rem3A, %ne3A : i32
      %lt3A_120 = arith.constant 0 : i32
      %lt3A_121 = arith.cmpi slt, %rem3A, %lt3A_120 : i32
      %lt3A_122 = arith.constant 0 : i32
      %lt3A_123 = arith.cmpi slt, %select_n3A_118, %lt3A_122 : i32
      %ne3A_124 = arith.xori %lt3A_121, %lt3A_123 : i1
      %and3A_125 = arith.andi %ne3A_124, %ne3A_119 : i1
      %add3A_126 = arith.addi %rem3A, %select_n3A_118 : i32
      %select_n3A_127 = arith.select %and3A_125, %add3A_126, %rem3A : i32
      %eq3A_128 = vector.broadcast %select_n3A_127 : i32 to vector<16xi32>
      %eq3A_129 = arith.cmpi eq, %iota3A, %eq3A_128 : vector<16xi32>
      %select_n3A_130 = arith.select %eq3A_129, %add3A_111, %scan3A_14 : vector<16xi1>, vector<16xf32>
      %broadcast_in_dim3A_131 = arith.constant 0.000000e+00 : f32
      %broadcast_in_dim3A_132 = vector.broadcast %broadcast_in_dim3A_131 : f32 to vector<16xf32>
      %scan3A_133 = arith.constant 0 : i32
      %scan3A_134 = arith.constant 64 : i32
      %scan3A_135 = arith.addi %scan3A_133, %scan3A_134 : i32
      %scan3A_136 = arith.constant 1 : i32
      %scan3A_137 = scf.for %scan3A_452 = %scan3A_133 to %scan3A_135 step %scan3A_136 iter_args(%scan3A_453 = %broadcast_in_dim3A_132) -> (vector<16xf32>)  : i32 {
        %mul3A_454 = arith.constant 16 : i32
        %mul3A_455 = arith.muli %scan3A_452, %mul3A_454 : i32
        %broadcast_in_dim3A_456 = arith.constant 0.000000e+00 : f32
        %broadcast_in_dim3A_457 = vector.broadcast %broadcast_in_dim3A_456 : f32 to vector<16xf32>
        %broadcast_in_dim3A_458 = arith.constant 0.000000e+00 : f32
        %broadcast_in_dim3A_459 = vector.broadcast %broadcast_in_dim3A_458 : f32 to vector<16xf32>
        %slice3A = vector.extract_strided_slice %get3A_39 {offsets = [8], sizes = [1], strides = [1]} : vector<16xf32> to vector<1xf32>
        %squeeze3A = vector.extract %slice3A[0] : f32 from vector<1xf32>
        %get3A_460 = arith.constant 8 : i32
        %get3A_461 = arith.index_cast %get3A_460 : i32 to index
        %get3A_462 = arith.index_cast %mul3A_455 : i32 to index
        %get3A_463 = tpu.vector_load %arg12[%get3A_461, %get3A_462] {strides = array<i32>} : memref<32x1024xf32, #tpu.memory_space<vmem>>, vector<1x16xf32>,
        %get3A_464 = vector.shape_cast %get3A_463 : vector<1x16xf32> to vector<16xf32>
        %mul3A_465 = vector.broadcast %squeeze3A : f32 to vector<16xf32>
        %mul3A_466 = arith.mulf %mul3A_465, %get3A_464 : vector<16xf32>
        %add3A_467 = arith.addf %broadcast_in_dim3A_457, %mul3A_466 : vector<16xf32>
        %get3A_468 = arith.constant 8 : i32
        %get3A_469 = arith.index_cast %get3A_468 : i32 to index
        %get3A_470 = arith.index_cast %mul3A_455 : i32 to index
        %get3A_471 = tpu.vector_load %arg13[%get3A_469, %get3A_470] {strides = array<i32>} : memref<32x1024xf32, #tpu.memory_space<vmem>>, vector<1x16xf32>,
        %get3A_472 = vector.shape_cast %get3A_471 : vector<1x16xf32> to vector<16xf32>
        %mul3A_473 = vector.broadcast %squeeze3A : f32 to vector<16xf32>
        %mul3A_474 = arith.mulf %mul3A_473, %get3A_472 : vector<16xf32>
        %add3A_475 = arith.addf %broadcast_in_dim3A_459, %mul3A_474 : vector<16xf32>
        %slice3A_476 = vector.extract_strided_slice %get3A_39 {offsets = [9], sizes = [1], strides = [1]} : vector<16xf32> to vector<1xf32>
        %squeeze3A_477 = vector.extract %slice3A_476[0] : f32 from vector<1xf32>
        %get3A_478 = arith.constant 9 : i32
        %get3A_479 = arith.index_cast %get3A_478 : i32 to index
        %get3A_480 = arith.index_cast %mul3A_455 : i32 to index
        %get3A_481 = tpu.vector_load %arg12[%get3A_479, %get3A_480] {strides = array<i32>} : memref<32x1024xf32, #tpu.memory_space<vmem>>, vector<1x16xf32>,
        %get3A_482 = vector.shape_cast %get3A_481 : vector<1x16xf32> to vector<16xf32>
        %mul3A_483 = vector.broadcast %squeeze3A_477 : f32 to vector<16xf32>
        %mul3A_484 = arith.mulf %mul3A_483, %get3A_482 : vector<16xf32>
        %add3A_485 = arith.addf %add3A_467, %mul3A_484 : vector<16xf32>
        %get3A_486 = arith.constant 9 : i32
        %get3A_487 = arith.index_cast %get3A_486 : i32 to index
        %get3A_488 = arith.index_cast %mul3A_455 : i32 to index
        %get3A_489 = tpu.vector_load %arg13[%get3A_487, %get3A_488] {strides = array<i32>} : memref<32x1024xf32, #tpu.memory_space<vmem>>, vector<1x16xf32>,
        %get3A_490 = vector.shape_cast %get3A_489 : vector<1x16xf32> to vector<16xf32>
        %mul3A_491 = vector.broadcast %squeeze3A_477 : f32 to vector<16xf32>
        %mul3A_492 = arith.mulf %mul3A_491, %get3A_490 : vector<16xf32>
        %add3A_493 = arith.addf %add3A_475, %mul3A_492 : vector<16xf32>
        %slice3A_494 = vector.extract_strided_slice %get3A_39 {offsets = [10], sizes = [1], strides = [1]} : vector<16xf32> to vector<1xf32>
        %squeeze3A_495 = vector.extract %slice3A_494[0] : f32 from vector<1xf32>
        %get3A_496 = arith.constant 10 : i32
        %get3A_497 = arith.index_cast %get3A_496 : i32 to index
        %get3A_498 = arith.index_cast %mul3A_455 : i32 to index
        %get3A_499 = tpu.vector_load %arg12[%get3A_497, %get3A_498] {strides = array<i32>} : memref<32x1024xf32, #tpu.memory_space<vmem>>, vector<1x16xf32>,
        %get3A_500 = vector.shape_cast %get3A_499 : vector<1x16xf32> to vector<16xf32>
        %mul3A_501 = vector.broadcast %squeeze3A_495 : f32 to vector<16xf32>
        %mul3A_502 = arith.mulf %mul3A_501, %get3A_500 : vector<16xf32>
        %add3A_503 = arith.addf %add3A_485, %mul3A_502 : vector<16xf32>
        %get3A_504 = arith.constant 10 : i32
        %get3A_505 = arith.index_cast %get3A_504 : i32 to index
        %get3A_506 = arith.index_cast %mul3A_455 : i32 to index
        %get3A_507 = tpu.vector_load %arg13[%get3A_505, %get3A_506] {strides = array<i32>} : memref<32x1024xf32, #tpu.memory_space<vmem>>, vector<1x16xf32>,
        %get3A_508 = vector.shape_cast %get3A_507 : vector<1x16xf32> to vector<16xf32>
        %mul3A_509 = vector.broadcast %squeeze3A_495 : f32 to vector<16xf32>
        %mul3A_510 = arith.mulf %mul3A_509, %get3A_508 : vector<16xf32>
        %add3A_511 = arith.addf %add3A_493, %mul3A_510 : vector<16xf32>
        %slice3A_512 = vector.extract_strided_slice %get3A_39 {offsets = [11], sizes = [1], strides = [1]} : vector<16xf32> to vector<1xf32>
        %squeeze3A_513 = vector.extract %slice3A_512[0] : f32 from vector<1xf32>
        %get3A_514 = arith.constant 11 : i32
        %get3A_515 = arith.index_cast %get3A_514 : i32 to index
        %get3A_516 = arith.index_cast %mul3A_455 : i32 to index
        %get3A_517 = tpu.vector_load %arg12[%get3A_515, %get3A_516] {strides = array<i32>} : memref<32x1024xf32, #tpu.memory_space<vmem>>, vector<1x16xf32>,
        %get3A_518 = vector.shape_cast %get3A_517 : vector<1x16xf32> to vector<16xf32>
        %mul3A_519 = vector.broadcast %squeeze3A_513 : f32 to vector<16xf32>
        %mul3A_520 = arith.mulf %mul3A_519, %get3A_518 : vector<16xf32>
        %add3A_521 = arith.addf %add3A_503, %mul3A_520 : vector<16xf32>
        %get3A_522 = arith.constant 11 : i32
        %get3A_523 = arith.index_cast %get3A_522 : i32 to index
        %get3A_524 = arith.index_cast %mul3A_455 : i32 to index
        %get3A_525 = tpu.vector_load %arg13[%get3A_523, %get3A_524] {strides = array<i32>} : memref<32x1024xf32, #tpu.memory_space<vmem>>, vector<1x16xf32>,
        %get3A_526 = vector.shape_cast %get3A_525 : vector<1x16xf32> to vector<16xf32>
        %mul3A_527 = vector.broadcast %squeeze3A_513 : f32 to vector<16xf32>
        %mul3A_528 = arith.mulf %mul3A_527, %get3A_526 : vector<16xf32>
        %add3A_529 = arith.addf %add3A_511, %mul3A_528 : vector<16xf32>
        %slice3A_530 = vector.extract_strided_slice %get3A_39 {offsets = [12], sizes = [1], strides = [1]} : vector<16xf32> to vector<1xf32>
        %squeeze3A_531 = vector.extract %slice3A_530[0] : f32 from vector<1xf32>
        %get3A_532 = arith.constant 12 : i32
        %get3A_533 = arith.index_cast %get3A_532 : i32 to index
        %get3A_534 = arith.index_cast %mul3A_455 : i32 to index
        %get3A_535 = tpu.vector_load %arg12[%get3A_533, %get3A_534] {strides = array<i32>} : memref<32x1024xf32, #tpu.memory_space<vmem>>, vector<1x16xf32>,
        %get3A_536 = vector.shape_cast %get3A_535 : vector<1x16xf32> to vector<16xf32>
        %mul3A_537 = vector.broadcast %squeeze3A_531 : f32 to vector<16xf32>
        %mul3A_538 = arith.mulf %mul3A_537, %get3A_536 : vector<16xf32>
        %add3A_539 = arith.addf %add3A_521, %mul3A_538 : vector<16xf32>
        %get3A_540 = arith.constant 12 : i32
        %get3A_541 = arith.index_cast %get3A_540 : i32 to index
        %get3A_542 = arith.index_cast %mul3A_455 : i32 to index
        %get3A_543 = tpu.vector_load %arg13[%get3A_541, %get3A_542] {strides = array<i32>} : memref<32x1024xf32, #tpu.memory_space<vmem>>, vector<1x16xf32>,
        %get3A_544 = vector.shape_cast %get3A_543 : vector<1x16xf32> to vector<16xf32>
        %mul3A_545 = vector.broadcast %squeeze3A_531 : f32 to vector<16xf32>
        %mul3A_546 = arith.mulf %mul3A_545, %get3A_544 : vector<16xf32>
        %add3A_547 = arith.addf %add3A_529, %mul3A_546 : vector<16xf32>
        %slice3A_548 = vector.extract_strided_slice %get3A_39 {offsets = [13], sizes = [1], strides = [1]} : vector<16xf32> to vector<1xf32>
        %squeeze3A_549 = vector.extract %slice3A_548[0] : f32 from vector<1xf32>
        %get3A_550 = arith.constant 13 : i32
        %get3A_551 = arith.index_cast %get3A_550 : i32 to index
        %get3A_552 = arith.index_cast %mul3A_455 : i32 to index
        %get3A_553 = tpu.vector_load %arg12[%get3A_551, %get3A_552] {strides = array<i32>} : memref<32x1024xf32, #tpu.memory_space<vmem>>, vector<1x16xf32>,
        %get3A_554 = vector.shape_cast %get3A_553 : vector<1x16xf32> to vector<16xf32>
        %mul3A_555 = vector.broadcast %squeeze3A_549 : f32 to vector<16xf32>
        %mul3A_556 = arith.mulf %mul3A_555, %get3A_554 : vector<16xf32>
        %add3A_557 = arith.addf %add3A_539, %mul3A_556 : vector<16xf32>
        %get3A_558 = arith.constant 13 : i32
        %get3A_559 = arith.index_cast %get3A_558 : i32 to index
        %get3A_560 = arith.index_cast %mul3A_455 : i32 to index
        %get3A_561 = tpu.vector_load %arg13[%get3A_559, %get3A_560] {strides = array<i32>} : memref<32x1024xf32, #tpu.memory_space<vmem>>, vector<1x16xf32>,
        %get3A_562 = vector.shape_cast %get3A_561 : vector<1x16xf32> to vector<16xf32>
        %mul3A_563 = vector.broadcast %squeeze3A_549 : f32 to vector<16xf32>
        %mul3A_564 = arith.mulf %mul3A_563, %get3A_562 : vector<16xf32>
        %add3A_565 = arith.addf %add3A_547, %mul3A_564 : vector<16xf32>
        %slice3A_566 = vector.extract_strided_slice %get3A_39 {offsets = [14], sizes = [1], strides = [1]} : vector<16xf32> to vector<1xf32>
        %squeeze3A_567 = vector.extract %slice3A_566[0] : f32 from vector<1xf32>
        %get3A_568 = arith.constant 14 : i32
        %get3A_569 = arith.index_cast %get3A_568 : i32 to index
        %get3A_570 = arith.index_cast %mul3A_455 : i32 to index
        %get3A_571 = tpu.vector_load %arg12[%get3A_569, %get3A_570] {strides = array<i32>} : memref<32x1024xf32, #tpu.memory_space<vmem>>, vector<1x16xf32>,
        %get3A_572 = vector.shape_cast %get3A_571 : vector<1x16xf32> to vector<16xf32>
        %mul3A_573 = vector.broadcast %squeeze3A_567 : f32 to vector<16xf32>
        %mul3A_574 = arith.mulf %mul3A_573, %get3A_572 : vector<16xf32>
        %add3A_575 = arith.addf %add3A_557, %mul3A_574 : vector<16xf32>
        %get3A_576 = arith.constant 14 : i32
        %get3A_577 = arith.index_cast %get3A_576 : i32 to index
        %get3A_578 = arith.index_cast %mul3A_455 : i32 to index
        %get3A_579 = tpu.vector_load %arg13[%get3A_577, %get3A_578] {strides = array<i32>} : memref<32x1024xf32, #tpu.memory_space<vmem>>, vector<1x16xf32>,
        %get3A_580 = vector.shape_cast %get3A_579 : vector<1x16xf32> to vector<16xf32>
        %mul3A_581 = vector.broadcast %squeeze3A_567 : f32 to vector<16xf32>
        %mul3A_582 = arith.mulf %mul3A_581, %get3A_580 : vector<16xf32>
        %add3A_583 = arith.addf %add3A_565, %mul3A_582 : vector<16xf32>
        %slice3A_584 = vector.extract_strided_slice %get3A_39 {offsets = [15], sizes = [1], strides = [1]} : vector<16xf32> to vector<1xf32>
        %squeeze3A_585 = vector.extract %slice3A_584[0] : f32 from vector<1xf32>
        %get3A_586 = arith.constant 15 : i32
        %get3A_587 = arith.index_cast %get3A_586 : i32 to index
        %get3A_588 = arith.index_cast %mul3A_455 : i32 to index
        %get3A_589 = tpu.vector_load %arg12[%get3A_587, %get3A_588] {strides = array<i32>} : memref<32x1024xf32, #tpu.memory_space<vmem>>, vector<1x16xf32>,
        %get3A_590 = vector.shape_cast %get3A_589 : vector<1x16xf32> to vector<16xf32>
        %mul3A_591 = vector.broadcast %squeeze3A_585 : f32 to vector<16xf32>
        %mul3A_592 = arith.mulf %mul3A_591, %get3A_590 : vector<16xf32>
        %add3A_593 = arith.addf %add3A_575, %mul3A_592 : vector<16xf32>
        %get3A_594 = arith.constant 15 : i32
        %get3A_595 = arith.index_cast %get3A_594 : i32 to index
        %get3A_596 = arith.index_cast %mul3A_455 : i32 to index
        %get3A_597 = tpu.vector_load %arg13[%get3A_595, %get3A_596] {strides = array<i32>} : memref<32x1024xf32, #tpu.memory_space<vmem>>, vector<1x16xf32>,
        %get3A_598 = vector.shape_cast %get3A_597 : vector<1x16xf32> to vector<16xf32>
        %mul3A_599 = vector.broadcast %squeeze3A_585 : f32 to vector<16xf32>
        %mul3A_600 = arith.mulf %mul3A_599, %get3A_598 : vector<16xf32>
        %add3A_601 = arith.addf %add3A_583, %mul3A_600 : vector<16xf32>
        %swap3A = arith.constant 1 : i32
        %swap3A_602 = arith.index_cast %swap3A : i32 to index
        %swap3A_603 = arith.index_cast %mul3A_455 : i32 to index
        %swap3A_604 = tpu.vector_load %arg15[%swap3A_602, %swap3A_603] {strides = array<i32>} : memref<4x1024xf32, #tpu.memory_space<vmem>>, vector<1x16xf32>,
        %swap3A_605 = vector.shape_cast %swap3A_604 : vector<1x16xf32> to vector<16xf32>
        %swap3A_606 = vector.shape_cast %add3A_593 : vector<16xf32> to vector<1x16xf32>
        tpu.vector_store %arg15[%swap3A_602, %swap3A_603], %swap3A_606 {strides = array<i32>} : memref<4x1024xf32, #tpu.memory_space<vmem>>, vector<1x16xf32>,
        %swap3A_607 = arith.constant 1 : i32
        %swap3A_608 = arith.index_cast %swap3A_607 : i32 to index
        %swap3A_609 = arith.index_cast %mul3A_455 : i32 to index
        %swap3A_610 = tpu.vector_load %arg16[%swap3A_608, %swap3A_609] {strides = array<i32>} : memref<4x1024xf32, #tpu.memory_space<vmem>>, vector<1x16xf32>,
        %swap3A_611 = vector.shape_cast %swap3A_610 : vector<1x16xf32> to vector<16xf32>
        %swap3A_612 = vector.shape_cast %add3A_601 : vector<16xf32> to vector<1x16xf32>
        tpu.vector_store %arg16[%swap3A_608, %swap3A_609], %swap3A_612 {strides = array<i32>} : memref<4x1024xf32, #tpu.memory_space<vmem>>, vector<1x16xf32>,
        %get3A_613 = arith.constant 1 : i32
        %get3A_614 = arith.index_cast %get3A_613 : i32 to index
        %get3A_615 = arith.index_cast %mul3A_455 : i32 to index
        %get3A_616 = tpu.vector_load %arg14[%get3A_614, %get3A_615] {strides = array<i32>} : memref<4x1024xf32, #tpu.memory_space<vmem>>, vector<1x16xf32>,
        %get3A_617 = vector.shape_cast %get3A_616 : vector<1x16xf32> to vector<16xf32>
        %sub3A = arith.subf %add3A_601, %get3A_617 : vector<16xf32>
        %mul3A_618 = arith.mulf %sub3A, %sub3A : vector<16xf32>
        %add3A_619 = arith.addf %scan3A_453, %mul3A_618 : vector<16xf32>
        scf.yield %add3A_619 : vector<16xf32>
      }
      %scan3A_138 = arith.constant 64 : i32
      %add3A_139 = arith.constant 8 : i32
      %add3A_140 = vector.broadcast %add3A_139 : i32 to vector<16xi32>
      %add3A_141 = arith.addi %iota3A, %add3A_140 : vector<16xi32>
      %and3A_142 = arith.constant 15 : i32
      %and3A_143 = vector.broadcast %and3A_142 : i32 to vector<16xi32>
      %and3A_144 = arith.andi %add3A_141, %and3A_143 : vector<16xi32>
      %lt3A_145 = arith.constant 0 : i32
      %lt3A_146 = vector.broadcast %lt3A_145 : i32 to vector<16xi32>
      %lt3A_147 = arith.cmpi slt, %and3A_144, %lt3A_146 : vector<16xi32>
      %add3A_148 = arith.constant 16 : i32
      %add3A_149 = vector.broadcast %add3A_148 : i32 to vector<16xi32>
      %add3A_150 = arith.addi %and3A_144, %add3A_149 : vector<16xi32>
      %select_n3A_151 = arith.select %lt3A_147, %add3A_150, %and3A_144 : vector<16xi1>, vector<16xi32>
      %broadcast_in_dim3A_152 = vector.shape_cast %select_n3A_151 : vector<16xi32> to vector<16x1xi32>
      %gather3A_153 = vector.shape_cast %broadcast_in_dim3A_152 : vector<16x1xi32> to vector<16xi32>
      %gather3A_154 = tpu.dynamic_gather %scan3A_137[%gather3A_153] in [0] : vector<16xf32>, vector<16xi32> -> vector<16xf32>
      %add3A_155 = arith.addf %scan3A_137, %gather3A_154 : vector<16xf32>
      %add3A_156 = arith.constant 4 : i32
      %add3A_157 = vector.broadcast %add3A_156 : i32 to vector<16xi32>
      %add3A_158 = arith.addi %iota3A, %add3A_157 : vector<16xi32>
      %and3A_159 = arith.constant 15 : i32
      %and3A_160 = vector.broadcast %and3A_159 : i32 to vector<16xi32>
      %and3A_161 = arith.andi %add3A_158, %and3A_160 : vector<16xi32>
      %lt3A_162 = arith.constant 0 : i32
      %lt3A_163 = vector.broadcast %lt3A_162 : i32 to vector<16xi32>
      %lt3A_164 = arith.cmpi slt, %and3A_161, %lt3A_163 : vector<16xi32>
      %add3A_165 = arith.constant 16 : i32
      %add3A_166 = vector.broadcast %add3A_165 : i32 to vector<16xi32>
      %add3A_167 = arith.addi %and3A_161, %add3A_166 : vector<16xi32>
      %select_n3A_168 = arith.select %lt3A_164, %add3A_167, %and3A_161 : vector<16xi1>, vector<16xi32>
      %broadcast_in_dim3A_169 = vector.shape_cast %select_n3A_168 : vector<16xi32> to vector<16x1xi32>
      %gather3A_170 = vector.shape_cast %broadcast_in_dim3A_169 : vector<16x1xi32> to vector<16xi32>
      %gather3A_171 = tpu.dynamic_gather %add3A_155[%gather3A_170] in [0] : vector<16xf32>, vector<16xi32> -> vector<16xf32>
      %add3A_172 = arith.addf %add3A_155, %gather3A_171 : vector<16xf32>
      %add3A_173 = arith.constant 2 : i32
      %add3A_174 = vector.broadcast %add3A_173 : i32 to vector<16xi32>
      %add3A_175 = arith.addi %iota3A, %add3A_174 : vector<16xi32>
      %and3A_176 = arith.constant 15 : i32
      %and3A_177 = vector.broadcast %and3A_176 : i32 to vector<16xi32>
      %and3A_178 = arith.andi %add3A_175, %and3A_177 : vector<16xi32>
      %lt3A_179 = arith.constant 0 : i32
      %lt3A_180 = vector.broadcast %lt3A_179 : i32 to vector<16xi32>
      %lt3A_181 = arith.cmpi slt, %and3A_178, %lt3A_180 : vector<16xi32>
      %add3A_182 = arith.constant 16 : i32
      %add3A_183 = vector.broadcast %add3A_182 : i32 to vector<16xi32>
      %add3A_184 = arith.addi %and3A_178, %add3A_183 : vector<16xi32>
      %select_n3A_185 = arith.select %lt3A_181, %add3A_184, %and3A_178 : vector<16xi1>, vector<16xi32>
      %broadcast_in_dim3A_186 = vector.shape_cast %select_n3A_185 : vector<16xi32> to vector<16x1xi32>
      %gather3A_187 = vector.shape_cast %broadcast_in_dim3A_186 : vector<16x1xi32> to vector<16xi32>
      %gather3A_188 = tpu.dynamic_gather %add3A_172[%gather3A_187] in [0] : vector<16xf32>, vector<16xi32> -> vector<16xf32>
      %add3A_189 = arith.addf %add3A_172, %gather3A_188 : vector<16xf32>
      %add3A_190 = arith.constant 1 : i32
      %add3A_191 = vector.broadcast %add3A_190 : i32 to vector<16xi32>
      %add3A_192 = arith.addi %iota3A, %add3A_191 : vector<16xi32>
      %and3A_193 = arith.constant 15 : i32
      %and3A_194 = vector.broadcast %and3A_193 : i32 to vector<16xi32>
      %and3A_195 = arith.andi %add3A_192, %and3A_194 : vector<16xi32>
      %lt3A_196 = arith.constant 0 : i32
      %lt3A_197 = vector.broadcast %lt3A_196 : i32 to vector<16xi32>
      %lt3A_198 = arith.cmpi slt, %and3A_195, %lt3A_197 : vector<16xi32>
      %add3A_199 = arith.constant 16 : i32
      %add3A_200 = vector.broadcast %add3A_199 : i32 to vector<16xi32>
      %add3A_201 = arith.addi %and3A_195, %add3A_200 : vector<16xi32>
      %select_n3A_202 = arith.select %lt3A_198, %add3A_201, %and3A_195 : vector<16xi1>, vector<16xi32>
      %broadcast_in_dim3A_203 = vector.shape_cast %select_n3A_202 : vector<16xi32> to vector<16x1xi32>
      %gather3A_204 = vector.shape_cast %broadcast_in_dim3A_203 : vector<16x1xi32> to vector<16xi32>
      %gather3A_205 = tpu.dynamic_gather %add3A_189[%gather3A_204] in [0] : vector<16xf32>, vector<16xi32> -> vector<16xf32>
      %add3A_206 = arith.addf %add3A_189, %gather3A_205 : vector<16xf32>
      %mul3A_207 = arith.constant 4 : i32
      %mul3A_208 = arith.muli %scan3A_13, %mul3A_207 : i32
      %add3A_209 = arith.constant 1 : i32
      %add3A_210 = arith.addi %mul3A_208, %add3A_209 : i32
      %jit3A_211 = arith.constant 16 : i32
      %eq3A_212 = arith.constant 0 : i32
      %eq3A_213 = arith.cmpi eq, %jit3A_211, %eq3A_212 : i32
      %jit3A_214 = arith.constant 1 : i32
      %select_n3A_215 = arith.select %eq3A_213, %jit3A_214, %jit3A_211 : i32
      %rem3A_216 = arith.remsi %add3A_210, %select_n3A_215 : i32
      %ne3A_217 = arith.constant 0 : i32
      %ne3A_218 = arith.cmpi ne, %rem3A_216, %ne3A_217 : i32
      %lt3A_219 = arith.constant 0 : i32
      %lt3A_220 = arith.cmpi slt, %rem3A_216, %lt3A_219 : i32
      %lt3A_221 = arith.constant 0 : i32
      %lt3A_222 = arith.cmpi slt, %select_n3A_215, %lt3A_221 : i32
      %ne3A_223 = arith.xori %lt3A_220, %lt3A_222 : i1
      %and3A_224 = arith.andi %ne3A_223, %ne3A_218 : i1
      %add3A_225 = arith.addi %rem3A_216, %select_n3A_215 : i32
      %select_n3A_226 = arith.select %and3A_224, %add3A_225, %rem3A_216 : i32
      %eq3A_227 = vector.broadcast %select_n3A_226 : i32 to vector<16xi32>
      %eq3A_228 = arith.cmpi eq, %iota3A, %eq3A_227 : vector<16xi32>
      %select_n3A_229 = arith.select %eq3A_228, %add3A_206, %select_n3A_130 : vector<16xi1>, vector<16xf32>
      %add3A_230 = arith.constant 16 : i32
      %add3A_231 = arith.addi %mul3A_21, %add3A_230 : i32
      %get3A_232 = arith.index_cast %add3A_231 : i32 to index
      %get3A_233 = tpu.vector_load %arg11[%get3A_232] {strides = array<i32>} : memref<512xf32, #tpu.memory_space<vmem>>, vector<16xf32>,
      %get3A_234 = vector.shape_cast %get3A_233 : vector<16xf32> to vector<16xf32>
      %broadcast_in_dim3A_235 = arith.constant 0.000000e+00 : f32
      %broadcast_in_dim3A_236 = vector.broadcast %broadcast_in_dim3A_235 : f32 to vector<16xf32>
      %scan3A_237 = arith.constant 0 : i32
      %scan3A_238 = arith.constant 64 : i32
      %scan3A_239 = arith.addi %scan3A_237, %scan3A_238 : i32
      %scan3A_240 = arith.constant 1 : i32
      %scan3A_241 = scf.for %scan3A_452 = %scan3A_237 to %scan3A_239 step %scan3A_240 iter_args(%scan3A_453 = %broadcast_in_dim3A_236) -> (vector<16xf32>)  : i32 {
        %mul3A_454 = arith.constant 16 : i32
        %mul3A_455 = arith.muli %scan3A_452, %mul3A_454 : i32
        %broadcast_in_dim3A_456 = arith.constant 0.000000e+00 : f32
        %broadcast_in_dim3A_457 = vector.broadcast %broadcast_in_dim3A_456 : f32 to vector<16xf32>
        %broadcast_in_dim3A_458 = arith.constant 0.000000e+00 : f32
        %broadcast_in_dim3A_459 = vector.broadcast %broadcast_in_dim3A_458 : f32 to vector<16xf32>
        %slice3A = vector.extract_strided_slice %get3A_234 {offsets = [0], sizes = [1], strides = [1]} : vector<16xf32> to vector<1xf32>
        %squeeze3A = vector.extract %slice3A[0] : f32 from vector<1xf32>
        %get3A_460 = arith.constant 16 : i32
        %get3A_461 = arith.index_cast %get3A_460 : i32 to index
        %get3A_462 = arith.index_cast %mul3A_455 : i32 to index
        %get3A_463 = tpu.vector_load %arg12[%get3A_461, %get3A_462] {strides = array<i32>} : memref<32x1024xf32, #tpu.memory_space<vmem>>, vector<1x16xf32>,
        %get3A_464 = vector.shape_cast %get3A_463 : vector<1x16xf32> to vector<16xf32>
        %mul3A_465 = vector.broadcast %squeeze3A : f32 to vector<16xf32>
        %mul3A_466 = arith.mulf %mul3A_465, %get3A_464 : vector<16xf32>
        %add3A_467 = arith.addf %broadcast_in_dim3A_457, %mul3A_466 : vector<16xf32>
        %get3A_468 = arith.constant 16 : i32
        %get3A_469 = arith.index_cast %get3A_468 : i32 to index
        %get3A_470 = arith.index_cast %mul3A_455 : i32 to index
        %get3A_471 = tpu.vector_load %arg13[%get3A_469, %get3A_470] {strides = array<i32>} : memref<32x1024xf32, #tpu.memory_space<vmem>>, vector<1x16xf32>,
        %get3A_472 = vector.shape_cast %get3A_471 : vector<1x16xf32> to vector<16xf32>
        %mul3A_473 = vector.broadcast %squeeze3A : f32 to vector<16xf32>
        %mul3A_474 = arith.mulf %mul3A_473, %get3A_472 : vector<16xf32>
        %add3A_475 = arith.addf %broadcast_in_dim3A_459, %mul3A_474 : vector<16xf32>
        %slice3A_476 = vector.extract_strided_slice %get3A_234 {offsets = [1], sizes = [1], strides = [1]} : vector<16xf32> to vector<1xf32>
        %squeeze3A_477 = vector.extract %slice3A_476[0] : f32 from vector<1xf32>
        %get3A_478 = arith.constant 17 : i32
        %get3A_479 = arith.index_cast %get3A_478 : i32 to index
        %get3A_480 = arith.index_cast %mul3A_455 : i32 to index
        %get3A_481 = tpu.vector_load %arg12[%get3A_479, %get3A_480] {strides = array<i32>} : memref<32x1024xf32, #tpu.memory_space<vmem>>, vector<1x16xf32>,
        %get3A_482 = vector.shape_cast %get3A_481 : vector<1x16xf32> to vector<16xf32>
        %mul3A_483 = vector.broadcast %squeeze3A_477 : f32 to vector<16xf32>
        %mul3A_484 = arith.mulf %mul3A_483, %get3A_482 : vector<16xf32>
        %add3A_485 = arith.addf %add3A_467, %mul3A_484 : vector<16xf32>
        %get3A_486 = arith.constant 17 : i32
        %get3A_487 = arith.index_cast %get3A_486 : i32 to index
        %get3A_488 = arith.index_cast %mul3A_455 : i32 to index
        %get3A_489 = tpu.vector_load %arg13[%get3A_487, %get3A_488] {strides = array<i32>} : memref<32x1024xf32, #tpu.memory_space<vmem>>, vector<1x16xf32>,
        %get3A_490 = vector.shape_cast %get3A_489 : vector<1x16xf32> to vector<16xf32>
        %mul3A_491 = vector.broadcast %squeeze3A_477 : f32 to vector<16xf32>
        %mul3A_492 = arith.mulf %mul3A_491, %get3A_490 : vector<16xf32>
        %add3A_493 = arith.addf %add3A_475, %mul3A_492 : vector<16xf32>
        %slice3A_494 = vector.extract_strided_slice %get3A_234 {offsets = [2], sizes = [1], strides = [1]} : vector<16xf32> to vector<1xf32>
        %squeeze3A_495 = vector.extract %slice3A_494[0] : f32 from vector<1xf32>
        %get3A_496 = arith.constant 18 : i32
        %get3A_497 = arith.index_cast %get3A_496 : i32 to index
        %get3A_498 = arith.index_cast %mul3A_455 : i32 to index
        %get3A_499 = tpu.vector_load %arg12[%get3A_497, %get3A_498] {strides = array<i32>} : memref<32x1024xf32, #tpu.memory_space<vmem>>, vector<1x16xf32>,
        %get3A_500 = vector.shape_cast %get3A_499 : vector<1x16xf32> to vector<16xf32>
        %mul3A_501 = vector.broadcast %squeeze3A_495 : f32 to vector<16xf32>
        %mul3A_502 = arith.mulf %mul3A_501, %get3A_500 : vector<16xf32>
        %add3A_503 = arith.addf %add3A_485, %mul3A_502 : vector<16xf32>
        %get3A_504 = arith.constant 18 : i32
        %get3A_505 = arith.index_cast %get3A_504 : i32 to index
        %get3A_506 = arith.index_cast %mul3A_455 : i32 to index
        %get3A_507 = tpu.vector_load %arg13[%get3A_505, %get3A_506] {strides = array<i32>} : memref<32x1024xf32, #tpu.memory_space<vmem>>, vector<1x16xf32>,
        %get3A_508 = vector.shape_cast %get3A_507 : vector<1x16xf32> to vector<16xf32>
        %mul3A_509 = vector.broadcast %squeeze3A_495 : f32 to vector<16xf32>
        %mul3A_510 = arith.mulf %mul3A_509, %get3A_508 : vector<16xf32>
        %add3A_511 = arith.addf %add3A_493, %mul3A_510 : vector<16xf32>
        %slice3A_512 = vector.extract_strided_slice %get3A_234 {offsets = [3], sizes = [1], strides = [1]} : vector<16xf32> to vector<1xf32>
        %squeeze3A_513 = vector.extract %slice3A_512[0] : f32 from vector<1xf32>
        %get3A_514 = arith.constant 19 : i32
        %get3A_515 = arith.index_cast %get3A_514 : i32 to index
        %get3A_516 = arith.index_cast %mul3A_455 : i32 to index
        %get3A_517 = tpu.vector_load %arg12[%get3A_515, %get3A_516] {strides = array<i32>} : memref<32x1024xf32, #tpu.memory_space<vmem>>, vector<1x16xf32>,
        %get3A_518 = vector.shape_cast %get3A_517 : vector<1x16xf32> to vector<16xf32>
        %mul3A_519 = vector.broadcast %squeeze3A_513 : f32 to vector<16xf32>
        %mul3A_520 = arith.mulf %mul3A_519, %get3A_518 : vector<16xf32>
        %add3A_521 = arith.addf %add3A_503, %mul3A_520 : vector<16xf32>
        %get3A_522 = arith.constant 19 : i32
        %get3A_523 = arith.index_cast %get3A_522 : i32 to index
        %get3A_524 = arith.index_cast %mul3A_455 : i32 to index
        %get3A_525 = tpu.vector_load %arg13[%get3A_523, %get3A_524] {strides = array<i32>} : memref<32x1024xf32, #tpu.memory_space<vmem>>, vector<1x16xf32>,
        %get3A_526 = vector.shape_cast %get3A_525 : vector<1x16xf32> to vector<16xf32>
        %mul3A_527 = vector.broadcast %squeeze3A_513 : f32 to vector<16xf32>
        %mul3A_528 = arith.mulf %mul3A_527, %get3A_526 : vector<16xf32>
        %add3A_529 = arith.addf %add3A_511, %mul3A_528 : vector<16xf32>
        %slice3A_530 = vector.extract_strided_slice %get3A_234 {offsets = [4], sizes = [1], strides = [1]} : vector<16xf32> to vector<1xf32>
        %squeeze3A_531 = vector.extract %slice3A_530[0] : f32 from vector<1xf32>
        %get3A_532 = arith.constant 20 : i32
        %get3A_533 = arith.index_cast %get3A_532 : i32 to index
        %get3A_534 = arith.index_cast %mul3A_455 : i32 to index
        %get3A_535 = tpu.vector_load %arg12[%get3A_533, %get3A_534] {strides = array<i32>} : memref<32x1024xf32, #tpu.memory_space<vmem>>, vector<1x16xf32>,
        %get3A_536 = vector.shape_cast %get3A_535 : vector<1x16xf32> to vector<16xf32>
        %mul3A_537 = vector.broadcast %squeeze3A_531 : f32 to vector<16xf32>
        %mul3A_538 = arith.mulf %mul3A_537, %get3A_536 : vector<16xf32>
        %add3A_539 = arith.addf %add3A_521, %mul3A_538 : vector<16xf32>
        %get3A_540 = arith.constant 20 : i32
        %get3A_541 = arith.index_cast %get3A_540 : i32 to index
        %get3A_542 = arith.index_cast %mul3A_455 : i32 to index
        %get3A_543 = tpu.vector_load %arg13[%get3A_541, %get3A_542] {strides = array<i32>} : memref<32x1024xf32, #tpu.memory_space<vmem>>, vector<1x16xf32>,
        %get3A_544 = vector.shape_cast %get3A_543 : vector<1x16xf32> to vector<16xf32>
        %mul3A_545 = vector.broadcast %squeeze3A_531 : f32 to vector<16xf32>
        %mul3A_546 = arith.mulf %mul3A_545, %get3A_544 : vector<16xf32>
        %add3A_547 = arith.addf %add3A_529, %mul3A_546 : vector<16xf32>
        %slice3A_548 = vector.extract_strided_slice %get3A_234 {offsets = [5], sizes = [1], strides = [1]} : vector<16xf32> to vector<1xf32>
        %squeeze3A_549 = vector.extract %slice3A_548[0] : f32 from vector<1xf32>
        %get3A_550 = arith.constant 21 : i32
        %get3A_551 = arith.index_cast %get3A_550 : i32 to index
        %get3A_552 = arith.index_cast %mul3A_455 : i32 to index
        %get3A_553 = tpu.vector_load %arg12[%get3A_551, %get3A_552] {strides = array<i32>} : memref<32x1024xf32, #tpu.memory_space<vmem>>, vector<1x16xf32>,
        %get3A_554 = vector.shape_cast %get3A_553 : vector<1x16xf32> to vector<16xf32>
        %mul3A_555 = vector.broadcast %squeeze3A_549 : f32 to vector<16xf32>
        %mul3A_556 = arith.mulf %mul3A_555, %get3A_554 : vector<16xf32>
        %add3A_557 = arith.addf %add3A_539, %mul3A_556 : vector<16xf32>
        %get3A_558 = arith.constant 21 : i32
        %get3A_559 = arith.index_cast %get3A_558 : i32 to index
        %get3A_560 = arith.index_cast %mul3A_455 : i32 to index
        %get3A_561 = tpu.vector_load %arg13[%get3A_559, %get3A_560] {strides = array<i32>} : memref<32x1024xf32, #tpu.memory_space<vmem>>, vector<1x16xf32>,
        %get3A_562 = vector.shape_cast %get3A_561 : vector<1x16xf32> to vector<16xf32>
        %mul3A_563 = vector.broadcast %squeeze3A_549 : f32 to vector<16xf32>
        %mul3A_564 = arith.mulf %mul3A_563, %get3A_562 : vector<16xf32>
        %add3A_565 = arith.addf %add3A_547, %mul3A_564 : vector<16xf32>
        %slice3A_566 = vector.extract_strided_slice %get3A_234 {offsets = [6], sizes = [1], strides = [1]} : vector<16xf32> to vector<1xf32>
        %squeeze3A_567 = vector.extract %slice3A_566[0] : f32 from vector<1xf32>
        %get3A_568 = arith.constant 22 : i32
        %get3A_569 = arith.index_cast %get3A_568 : i32 to index
        %get3A_570 = arith.index_cast %mul3A_455 : i32 to index
        %get3A_571 = tpu.vector_load %arg12[%get3A_569, %get3A_570] {strides = array<i32>} : memref<32x1024xf32, #tpu.memory_space<vmem>>, vector<1x16xf32>,
        %get3A_572 = vector.shape_cast %get3A_571 : vector<1x16xf32> to vector<16xf32>
        %mul3A_573 = vector.broadcast %squeeze3A_567 : f32 to vector<16xf32>
        %mul3A_574 = arith.mulf %mul3A_573, %get3A_572 : vector<16xf32>
        %add3A_575 = arith.addf %add3A_557, %mul3A_574 : vector<16xf32>
        %get3A_576 = arith.constant 22 : i32
        %get3A_577 = arith.index_cast %get3A_576 : i32 to index
        %get3A_578 = arith.index_cast %mul3A_455 : i32 to index
        %get3A_579 = tpu.vector_load %arg13[%get3A_577, %get3A_578] {strides = array<i32>} : memref<32x1024xf32, #tpu.memory_space<vmem>>, vector<1x16xf32>,
        %get3A_580 = vector.shape_cast %get3A_579 : vector<1x16xf32> to vector<16xf32>
        %mul3A_581 = vector.broadcast %squeeze3A_567 : f32 to vector<16xf32>
        %mul3A_582 = arith.mulf %mul3A_581, %get3A_580 : vector<16xf32>
        %add3A_583 = arith.addf %add3A_565, %mul3A_582 : vector<16xf32>
        %slice3A_584 = vector.extract_strided_slice %get3A_234 {offsets = [7], sizes = [1], strides = [1]} : vector<16xf32> to vector<1xf32>
        %squeeze3A_585 = vector.extract %slice3A_584[0] : f32 from vector<1xf32>
        %get3A_586 = arith.constant 23 : i32
        %get3A_587 = arith.index_cast %get3A_586 : i32 to index
        %get3A_588 = arith.index_cast %mul3A_455 : i32 to index
        %get3A_589 = tpu.vector_load %arg12[%get3A_587, %get3A_588] {strides = array<i32>} : memref<32x1024xf32, #tpu.memory_space<vmem>>, vector<1x16xf32>,
        %get3A_590 = vector.shape_cast %get3A_589 : vector<1x16xf32> to vector<16xf32>
        %mul3A_591 = vector.broadcast %squeeze3A_585 : f32 to vector<16xf32>
        %mul3A_592 = arith.mulf %mul3A_591, %get3A_590 : vector<16xf32>
        %add3A_593 = arith.addf %add3A_575, %mul3A_592 : vector<16xf32>
        %get3A_594 = arith.constant 23 : i32
        %get3A_595 = arith.index_cast %get3A_594 : i32 to index
        %get3A_596 = arith.index_cast %mul3A_455 : i32 to index
        %get3A_597 = tpu.vector_load %arg13[%get3A_595, %get3A_596] {strides = array<i32>} : memref<32x1024xf32, #tpu.memory_space<vmem>>, vector<1x16xf32>,
        %get3A_598 = vector.shape_cast %get3A_597 : vector<1x16xf32> to vector<16xf32>
        %mul3A_599 = vector.broadcast %squeeze3A_585 : f32 to vector<16xf32>
        %mul3A_600 = arith.mulf %mul3A_599, %get3A_598 : vector<16xf32>
        %add3A_601 = arith.addf %add3A_583, %mul3A_600 : vector<16xf32>
        %swap3A = arith.constant 2 : i32
        %swap3A_602 = arith.index_cast %swap3A : i32 to index
        %swap3A_603 = arith.index_cast %mul3A_455 : i32 to index
        %swap3A_604 = tpu.vector_load %arg15[%swap3A_602, %swap3A_603] {strides = array<i32>} : memref<4x1024xf32, #tpu.memory_space<vmem>>, vector<1x16xf32>,
        %swap3A_605 = vector.shape_cast %swap3A_604 : vector<1x16xf32> to vector<16xf32>
        %swap3A_606 = vector.shape_cast %add3A_593 : vector<16xf32> to vector<1x16xf32>
        tpu.vector_store %arg15[%swap3A_602, %swap3A_603], %swap3A_606 {strides = array<i32>} : memref<4x1024xf32, #tpu.memory_space<vmem>>, vector<1x16xf32>,
        %swap3A_607 = arith.constant 2 : i32
        %swap3A_608 = arith.index_cast %swap3A_607 : i32 to index
        %swap3A_609 = arith.index_cast %mul3A_455 : i32 to index
        %swap3A_610 = tpu.vector_load %arg16[%swap3A_608, %swap3A_609] {strides = array<i32>} : memref<4x1024xf32, #tpu.memory_space<vmem>>, vector<1x16xf32>,
        %swap3A_611 = vector.shape_cast %swap3A_610 : vector<1x16xf32> to vector<16xf32>
        %swap3A_612 = vector.shape_cast %add3A_601 : vector<16xf32> to vector<1x16xf32>
        tpu.vector_store %arg16[%swap3A_608, %swap3A_609], %swap3A_612 {strides = array<i32>} : memref<4x1024xf32, #tpu.memory_space<vmem>>, vector<1x16xf32>,
        %get3A_613 = arith.constant 2 : i32
        %get3A_614 = arith.index_cast %get3A_613 : i32 to index
        %get3A_615 = arith.index_cast %mul3A_455 : i32 to index
        %get3A_616 = tpu.vector_load %arg14[%get3A_614, %get3A_615] {strides = array<i32>} : memref<4x1024xf32, #tpu.memory_space<vmem>>, vector<1x16xf32>,
        %get3A_617 = vector.shape_cast %get3A_616 : vector<1x16xf32> to vector<16xf32>
        %sub3A = arith.subf %add3A_601, %get3A_617 : vector<16xf32>
        %mul3A_618 = arith.mulf %sub3A, %sub3A : vector<16xf32>
        %add3A_619 = arith.addf %scan3A_453, %mul3A_618 : vector<16xf32>
        scf.yield %add3A_619 : vector<16xf32>
      }
      %scan3A_242 = arith.constant 64 : i32
      %add3A_243 = arith.constant 8 : i32
      %add3A_244 = vector.broadcast %add3A_243 : i32 to vector<16xi32>
      %add3A_245 = arith.addi %iota3A, %add3A_244 : vector<16xi32>
      %and3A_246 = arith.constant 15 : i32
      %and3A_247 = vector.broadcast %and3A_246 : i32 to vector<16xi32>
      %and3A_248 = arith.andi %add3A_245, %and3A_247 : vector<16xi32>
      %lt3A_249 = arith.constant 0 : i32
      %lt3A_250 = vector.broadcast %lt3A_249 : i32 to vector<16xi32>
      %lt3A_251 = arith.cmpi slt, %and3A_248, %lt3A_250 : vector<16xi32>
      %add3A_252 = arith.constant 16 : i32
      %add3A_253 = vector.broadcast %add3A_252 : i32 to vector<16xi32>
      %add3A_254 = arith.addi %and3A_248, %add3A_253 : vector<16xi32>
      %select_n3A_255 = arith.select %lt3A_251, %add3A_254, %and3A_248 : vector<16xi1>, vector<16xi32>
      %broadcast_in_dim3A_256 = vector.shape_cast %select_n3A_255 : vector<16xi32> to vector<16x1xi32>
      %gather3A_257 = vector.shape_cast %broadcast_in_dim3A_256 : vector<16x1xi32> to vector<16xi32>
      %gather3A_258 = tpu.dynamic_gather %scan3A_241[%gather3A_257] in [0] : vector<16xf32>, vector<16xi32> -> vector<16xf32>
      %add3A_259 = arith.addf %scan3A_241, %gather3A_258 : vector<16xf32>
      %add3A_260 = arith.constant 4 : i32
      %add3A_261 = vector.broadcast %add3A_260 : i32 to vector<16xi32>
      %add3A_262 = arith.addi %iota3A, %add3A_261 : vector<16xi32>
      %and3A_263 = arith.constant 15 : i32
      %and3A_264 = vector.broadcast %and3A_263 : i32 to vector<16xi32>
      %and3A_265 = arith.andi %add3A_262, %and3A_264 : vector<16xi32>
      %lt3A_266 = arith.constant 0 : i32
      %lt3A_267 = vector.broadcast %lt3A_266 : i32 to vector<16xi32>
      %lt3A_268 = arith.cmpi slt, %and3A_265, %lt3A_267 : vector<16xi32>
      %add3A_269 = arith.constant 16 : i32
      %add3A_270 = vector.broadcast %add3A_269 : i32 to vector<16xi32>
      %add3A_271 = arith.addi %and3A_265, %add3A_270 : vector<16xi32>
      %select_n3A_272 = arith.select %lt3A_268, %add3A_271, %and3A_265 : vector<16xi1>, vector<16xi32>
      %broadcast_in_dim3A_273 = vector.shape_cast %select_n3A_272 : vector<16xi32> to vector<16x1xi32>
      %gather3A_274 = vector.shape_cast %broadcast_in_dim3A_273 : vector<16x1xi32> to vector<16xi32>
      %gather3A_275 = tpu.dynamic_gather %add3A_259[%gather3A_274] in [0] : vector<16xf32>, vector<16xi32> -> vector<16xf32>
      %add3A_276 = arith.addf %add3A_259, %gather3A_275 : vector<16xf32>
      %add3A_277 = arith.constant 2 : i32
      %add3A_278 = vector.broadcast %add3A_277 : i32 to vector<16xi32>
      %add3A_279 = arith.addi %iota3A, %add3A_278 : vector<16xi32>
      %and3A_280 = arith.constant 15 : i32
      %and3A_281 = vector.broadcast %and3A_280 : i32 to vector<16xi32>
      %and3A_282 = arith.andi %add3A_279, %and3A_281 : vector<16xi32>
      %lt3A_283 = arith.constant 0 : i32
      %lt3A_284 = vector.broadcast %lt3A_283 : i32 to vector<16xi32>
      %lt3A_285 = arith.cmpi slt, %and3A_282, %lt3A_284 : vector<16xi32>
      %add3A_286 = arith.constant 16 : i32
      %add3A_287 = vector.broadcast %add3A_286 : i32 to vector<16xi32>
      %add3A_288 = arith.addi %and3A_282, %add3A_287 : vector<16xi32>
      %select_n3A_289 = arith.select %lt3A_285, %add3A_288, %and3A_282 : vector<16xi1>, vector<16xi32>
      %broadcast_in_dim3A_290 = vector.shape_cast %select_n3A_289 : vector<16xi32> to vector<16x1xi32>
      %gather3A_291 = vector.shape_cast %broadcast_in_dim3A_290 : vector<16x1xi32> to vector<16xi32>
      %gather3A_292 = tpu.dynamic_gather %add3A_276[%gather3A_291] in [0] : vector<16xf32>, vector<16xi32> -> vector<16xf32>
      %add3A_293 = arith.addf %add3A_276, %gather3A_292 : vector<16xf32>
      %add3A_294 = arith.constant 1 : i32
      %add3A_295 = vector.broadcast %add3A_294 : i32 to vector<16xi32>
      %add3A_296 = arith.addi %iota3A, %add3A_295 : vector<16xi32>
      %and3A_297 = arith.constant 15 : i32
      %and3A_298 = vector.broadcast %and3A_297 : i32 to vector<16xi32>
      %and3A_299 = arith.andi %add3A_296, %and3A_298 : vector<16xi32>
      %lt3A_300 = arith.constant 0 : i32
      %lt3A_301 = vector.broadcast %lt3A_300 : i32 to vector<16xi32>
      %lt3A_302 = arith.cmpi slt, %and3A_299, %lt3A_301 : vector<16xi32>
      %add3A_303 = arith.constant 16 : i32
      %add3A_304 = vector.broadcast %add3A_303 : i32 to vector<16xi32>
      %add3A_305 = arith.addi %and3A_299, %add3A_304 : vector<16xi32>
      %select_n3A_306 = arith.select %lt3A_302, %add3A_305, %and3A_299 : vector<16xi1>, vector<16xi32>
      %broadcast_in_dim3A_307 = vector.shape_cast %select_n3A_306 : vector<16xi32> to vector<16x1xi32>
      %gather3A_308 = vector.shape_cast %broadcast_in_dim3A_307 : vector<16x1xi32> to vector<16xi32>
      %gather3A_309 = tpu.dynamic_gather %add3A_293[%gather3A_308] in [0] : vector<16xf32>, vector<16xi32> -> vector<16xf32>
      %add3A_310 = arith.addf %add3A_293, %gather3A_309 : vector<16xf32>
      %mul3A_311 = arith.constant 4 : i32
      %mul3A_312 = arith.muli %scan3A_13, %mul3A_311 : i32
      %add3A_313 = arith.constant 2 : i32
      %add3A_314 = arith.addi %mul3A_312, %add3A_313 : i32
      %jit3A_315 = arith.constant 16 : i32
      %eq3A_316 = arith.constant 0 : i32
      %eq3A_317 = arith.cmpi eq, %jit3A_315, %eq3A_316 : i32
      %jit3A_318 = arith.constant 1 : i32
      %select_n3A_319 = arith.select %eq3A_317, %jit3A_318, %jit3A_315 : i32
      %rem3A_320 = arith.remsi %add3A_314, %select_n3A_319 : i32
      %ne3A_321 = arith.constant 0 : i32
      %ne3A_322 = arith.cmpi ne, %rem3A_320, %ne3A_321 : i32
      %lt3A_323 = arith.constant 0 : i32
      %lt3A_324 = arith.cmpi slt, %rem3A_320, %lt3A_323 : i32
      %lt3A_325 = arith.constant 0 : i32
      %lt3A_326 = arith.cmpi slt, %select_n3A_319, %lt3A_325 : i32
      %ne3A_327 = arith.xori %lt3A_324, %lt3A_326 : i1
      %and3A_328 = arith.andi %ne3A_327, %ne3A_322 : i1
      %add3A_329 = arith.addi %rem3A_320, %select_n3A_319 : i32
      %select_n3A_330 = arith.select %and3A_328, %add3A_329, %rem3A_320 : i32
      %eq3A_331 = vector.broadcast %select_n3A_330 : i32 to vector<16xi32>
      %eq3A_332 = arith.cmpi eq, %iota3A, %eq3A_331 : vector<16xi32>
      %select_n3A_333 = arith.select %eq3A_332, %add3A_310, %select_n3A_229 : vector<16xi1>, vector<16xf32>
      %broadcast_in_dim3A_334 = arith.constant 0.000000e+00 : f32
      %broadcast_in_dim3A_335 = vector.broadcast %broadcast_in_dim3A_334 : f32 to vector<16xf32>
      %scan3A_336 = arith.constant 0 : i32
      %scan3A_337 = arith.constant 64 : i32
      %scan3A_338 = arith.addi %scan3A_336, %scan3A_337 : i32
      %scan3A_339 = arith.constant 1 : i32
      %scan3A_340 = scf.for %scan3A_452 = %scan3A_336 to %scan3A_338 step %scan3A_339 iter_args(%scan3A_453 = %broadcast_in_dim3A_335) -> (vector<16xf32>)  : i32 {
        %mul3A_454 = arith.constant 16 : i32
        %mul3A_455 = arith.muli %scan3A_452, %mul3A_454 : i32
        %broadcast_in_dim3A_456 = arith.constant 0.000000e+00 : f32
        %broadcast_in_dim3A_457 = vector.broadcast %broadcast_in_dim3A_456 : f32 to vector<16xf32>
        %broadcast_in_dim3A_458 = arith.constant 0.000000e+00 : f32
        %broadcast_in_dim3A_459 = vector.broadcast %broadcast_in_dim3A_458 : f32 to vector<16xf32>
        %slice3A = vector.extract_strided_slice %get3A_234 {offsets = [8], sizes = [1], strides = [1]} : vector<16xf32> to vector<1xf32>
        %squeeze3A = vector.extract %slice3A[0] : f32 from vector<1xf32>
        %get3A_460 = arith.constant 24 : i32
        %get3A_461 = arith.index_cast %get3A_460 : i32 to index
        %get3A_462 = arith.index_cast %mul3A_455 : i32 to index
        %get3A_463 = tpu.vector_load %arg12[%get3A_461, %get3A_462] {strides = array<i32>} : memref<32x1024xf32, #tpu.memory_space<vmem>>, vector<1x16xf32>,
        %get3A_464 = vector.shape_cast %get3A_463 : vector<1x16xf32> to vector<16xf32>
        %mul3A_465 = vector.broadcast %squeeze3A : f32 to vector<16xf32>
        %mul3A_466 = arith.mulf %mul3A_465, %get3A_464 : vector<16xf32>
        %add3A_467 = arith.addf %broadcast_in_dim3A_457, %mul3A_466 : vector<16xf32>
        %get3A_468 = arith.constant 24 : i32
        %get3A_469 = arith.index_cast %get3A_468 : i32 to index
        %get3A_470 = arith.index_cast %mul3A_455 : i32 to index
        %get3A_471 = tpu.vector_load %arg13[%get3A_469, %get3A_470] {strides = array<i32>} : memref<32x1024xf32, #tpu.memory_space<vmem>>, vector<1x16xf32>,
        %get3A_472 = vector.shape_cast %get3A_471 : vector<1x16xf32> to vector<16xf32>
        %mul3A_473 = vector.broadcast %squeeze3A : f32 to vector<16xf32>
        %mul3A_474 = arith.mulf %mul3A_473, %get3A_472 : vector<16xf32>
        %add3A_475 = arith.addf %broadcast_in_dim3A_459, %mul3A_474 : vector<16xf32>
        %slice3A_476 = vector.extract_strided_slice %get3A_234 {offsets = [9], sizes = [1], strides = [1]} : vector<16xf32> to vector<1xf32>
        %squeeze3A_477 = vector.extract %slice3A_476[0] : f32 from vector<1xf32>
        %get3A_478 = arith.constant 25 : i32
        %get3A_479 = arith.index_cast %get3A_478 : i32 to index
        %get3A_480 = arith.index_cast %mul3A_455 : i32 to index
        %get3A_481 = tpu.vector_load %arg12[%get3A_479, %get3A_480] {strides = array<i32>} : memref<32x1024xf32, #tpu.memory_space<vmem>>, vector<1x16xf32>,
        %get3A_482 = vector.shape_cast %get3A_481 : vector<1x16xf32> to vector<16xf32>
        %mul3A_483 = vector.broadcast %squeeze3A_477 : f32 to vector<16xf32>
        %mul3A_484 = arith.mulf %mul3A_483, %get3A_482 : vector<16xf32>
        %add3A_485 = arith.addf %add3A_467, %mul3A_484 : vector<16xf32>
        %get3A_486 = arith.constant 25 : i32
        %get3A_487 = arith.index_cast %get3A_486 : i32 to index
        %get3A_488 = arith.index_cast %mul3A_455 : i32 to index
        %get3A_489 = tpu.vector_load %arg13[%get3A_487, %get3A_488] {strides = array<i32>} : memref<32x1024xf32, #tpu.memory_space<vmem>>, vector<1x16xf32>,
        %get3A_490 = vector.shape_cast %get3A_489 : vector<1x16xf32> to vector<16xf32>
        %mul3A_491 = vector.broadcast %squeeze3A_477 : f32 to vector<16xf32>
        %mul3A_492 = arith.mulf %mul3A_491, %get3A_490 : vector<16xf32>
        %add3A_493 = arith.addf %add3A_475, %mul3A_492 : vector<16xf32>
        %slice3A_494 = vector.extract_strided_slice %get3A_234 {offsets = [10], sizes = [1], strides = [1]} : vector<16xf32> to vector<1xf32>
        %squeeze3A_495 = vector.extract %slice3A_494[0] : f32 from vector<1xf32>
        %get3A_496 = arith.constant 26 : i32
        %get3A_497 = arith.index_cast %get3A_496 : i32 to index
        %get3A_498 = arith.index_cast %mul3A_455 : i32 to index
        %get3A_499 = tpu.vector_load %arg12[%get3A_497, %get3A_498] {strides = array<i32>} : memref<32x1024xf32, #tpu.memory_space<vmem>>, vector<1x16xf32>,
        %get3A_500 = vector.shape_cast %get3A_499 : vector<1x16xf32> to vector<16xf32>
        %mul3A_501 = vector.broadcast %squeeze3A_495 : f32 to vector<16xf32>
        %mul3A_502 = arith.mulf %mul3A_501, %get3A_500 : vector<16xf32>
        %add3A_503 = arith.addf %add3A_485, %mul3A_502 : vector<16xf32>
        %get3A_504 = arith.constant 26 : i32
        %get3A_505 = arith.index_cast %get3A_504 : i32 to index
        %get3A_506 = arith.index_cast %mul3A_455 : i32 to index
        %get3A_507 = tpu.vector_load %arg13[%get3A_505, %get3A_506] {strides = array<i32>} : memref<32x1024xf32, #tpu.memory_space<vmem>>, vector<1x16xf32>,
        %get3A_508 = vector.shape_cast %get3A_507 : vector<1x16xf32> to vector<16xf32>
        %mul3A_509 = vector.broadcast %squeeze3A_495 : f32 to vector<16xf32>
        %mul3A_510 = arith.mulf %mul3A_509, %get3A_508 : vector<16xf32>
        %add3A_511 = arith.addf %add3A_493, %mul3A_510 : vector<16xf32>
        %slice3A_512 = vector.extract_strided_slice %get3A_234 {offsets = [11], sizes = [1], strides = [1]} : vector<16xf32> to vector<1xf32>
        %squeeze3A_513 = vector.extract %slice3A_512[0] : f32 from vector<1xf32>
        %get3A_514 = arith.constant 27 : i32
        %get3A_515 = arith.index_cast %get3A_514 : i32 to index
        %get3A_516 = arith.index_cast %mul3A_455 : i32 to index
        %get3A_517 = tpu.vector_load %arg12[%get3A_515, %get3A_516] {strides = array<i32>} : memref<32x1024xf32, #tpu.memory_space<vmem>>, vector<1x16xf32>,
        %get3A_518 = vector.shape_cast %get3A_517 : vector<1x16xf32> to vector<16xf32>
        %mul3A_519 = vector.broadcast %squeeze3A_513 : f32 to vector<16xf32>
        %mul3A_520 = arith.mulf %mul3A_519, %get3A_518 : vector<16xf32>
        %add3A_521 = arith.addf %add3A_503, %mul3A_520 : vector<16xf32>
        %get3A_522 = arith.constant 27 : i32
        %get3A_523 = arith.index_cast %get3A_522 : i32 to index
        %get3A_524 = arith.index_cast %mul3A_455 : i32 to index
        %get3A_525 = tpu.vector_load %arg13[%get3A_523, %get3A_524] {strides = array<i32>} : memref<32x1024xf32, #tpu.memory_space<vmem>>, vector<1x16xf32>,
        %get3A_526 = vector.shape_cast %get3A_525 : vector<1x16xf32> to vector<16xf32>
        %mul3A_527 = vector.broadcast %squeeze3A_513 : f32 to vector<16xf32>
        %mul3A_528 = arith.mulf %mul3A_527, %get3A_526 : vector<16xf32>
        %add3A_529 = arith.addf %add3A_511, %mul3A_528 : vector<16xf32>
        %slice3A_530 = vector.extract_strided_slice %get3A_234 {offsets = [12], sizes = [1], strides = [1]} : vector<16xf32> to vector<1xf32>
        %squeeze3A_531 = vector.extract %slice3A_530[0] : f32 from vector<1xf32>
        %get3A_532 = arith.constant 28 : i32
        %get3A_533 = arith.index_cast %get3A_532 : i32 to index
        %get3A_534 = arith.index_cast %mul3A_455 : i32 to index
        %get3A_535 = tpu.vector_load %arg12[%get3A_533, %get3A_534] {strides = array<i32>} : memref<32x1024xf32, #tpu.memory_space<vmem>>, vector<1x16xf32>,
        %get3A_536 = vector.shape_cast %get3A_535 : vector<1x16xf32> to vector<16xf32>
        %mul3A_537 = vector.broadcast %squeeze3A_531 : f32 to vector<16xf32>
        %mul3A_538 = arith.mulf %mul3A_537, %get3A_536 : vector<16xf32>
        %add3A_539 = arith.addf %add3A_521, %mul3A_538 : vector<16xf32>
        %get3A_540 = arith.constant 28 : i32
        %get3A_541 = arith.index_cast %get3A_540 : i32 to index
        %get3A_542 = arith.index_cast %mul3A_455 : i32 to index
        %get3A_543 = tpu.vector_load %arg13[%get3A_541, %get3A_542] {strides = array<i32>} : memref<32x1024xf32, #tpu.memory_space<vmem>>, vector<1x16xf32>,
        %get3A_544 = vector.shape_cast %get3A_543 : vector<1x16xf32> to vector<16xf32>
        %mul3A_545 = vector.broadcast %squeeze3A_531 : f32 to vector<16xf32>
        %mul3A_546 = arith.mulf %mul3A_545, %get3A_544 : vector<16xf32>
        %add3A_547 = arith.addf %add3A_529, %mul3A_546 : vector<16xf32>
        %slice3A_548 = vector.extract_strided_slice %get3A_234 {offsets = [13], sizes = [1], strides = [1]} : vector<16xf32> to vector<1xf32>
        %squeeze3A_549 = vector.extract %slice3A_548[0] : f32 from vector<1xf32>
        %get3A_550 = arith.constant 29 : i32
        %get3A_551 = arith.index_cast %get3A_550 : i32 to index
        %get3A_552 = arith.index_cast %mul3A_455 : i32 to index
        %get3A_553 = tpu.vector_load %arg12[%get3A_551, %get3A_552] {strides = array<i32>} : memref<32x1024xf32, #tpu.memory_space<vmem>>, vector<1x16xf32>,
        %get3A_554 = vector.shape_cast %get3A_553 : vector<1x16xf32> to vector<16xf32>
        %mul3A_555 = vector.broadcast %squeeze3A_549 : f32 to vector<16xf32>
        %mul3A_556 = arith.mulf %mul3A_555, %get3A_554 : vector<16xf32>
        %add3A_557 = arith.addf %add3A_539, %mul3A_556 : vector<16xf32>
        %get3A_558 = arith.constant 29 : i32
        %get3A_559 = arith.index_cast %get3A_558 : i32 to index
        %get3A_560 = arith.index_cast %mul3A_455 : i32 to index
        %get3A_561 = tpu.vector_load %arg13[%get3A_559, %get3A_560] {strides = array<i32>} : memref<32x1024xf32, #tpu.memory_space<vmem>>, vector<1x16xf32>,
        %get3A_562 = vector.shape_cast %get3A_561 : vector<1x16xf32> to vector<16xf32>
        %mul3A_563 = vector.broadcast %squeeze3A_549 : f32 to vector<16xf32>
        %mul3A_564 = arith.mulf %mul3A_563, %get3A_562 : vector<16xf32>
        %add3A_565 = arith.addf %add3A_547, %mul3A_564 : vector<16xf32>
        %slice3A_566 = vector.extract_strided_slice %get3A_234 {offsets = [14], sizes = [1], strides = [1]} : vector<16xf32> to vector<1xf32>
        %squeeze3A_567 = vector.extract %slice3A_566[0] : f32 from vector<1xf32>
        %get3A_568 = arith.constant 30 : i32
        %get3A_569 = arith.index_cast %get3A_568 : i32 to index
        %get3A_570 = arith.index_cast %mul3A_455 : i32 to index
        %get3A_571 = tpu.vector_load %arg12[%get3A_569, %get3A_570] {strides = array<i32>} : memref<32x1024xf32, #tpu.memory_space<vmem>>, vector<1x16xf32>,
        %get3A_572 = vector.shape_cast %get3A_571 : vector<1x16xf32> to vector<16xf32>
        %mul3A_573 = vector.broadcast %squeeze3A_567 : f32 to vector<16xf32>
        %mul3A_574 = arith.mulf %mul3A_573, %get3A_572 : vector<16xf32>
        %add3A_575 = arith.addf %add3A_557, %mul3A_574 : vector<16xf32>
        %get3A_576 = arith.constant 30 : i32
        %get3A_577 = arith.index_cast %get3A_576 : i32 to index
        %get3A_578 = arith.index_cast %mul3A_455 : i32 to index
        %get3A_579 = tpu.vector_load %arg13[%get3A_577, %get3A_578] {strides = array<i32>} : memref<32x1024xf32, #tpu.memory_space<vmem>>, vector<1x16xf32>,
        %get3A_580 = vector.shape_cast %get3A_579 : vector<1x16xf32> to vector<16xf32>
        %mul3A_581 = vector.broadcast %squeeze3A_567 : f32 to vector<16xf32>
        %mul3A_582 = arith.mulf %mul3A_581, %get3A_580 : vector<16xf32>
        %add3A_583 = arith.addf %add3A_565, %mul3A_582 : vector<16xf32>
        %slice3A_584 = vector.extract_strided_slice %get3A_234 {offsets = [15], sizes = [1], strides = [1]} : vector<16xf32> to vector<1xf32>
        %squeeze3A_585 = vector.extract %slice3A_584[0] : f32 from vector<1xf32>
        %get3A_586 = arith.constant 31 : i32
        %get3A_587 = arith.index_cast %get3A_586 : i32 to index
        %get3A_588 = arith.index_cast %mul3A_455 : i32 to index
        %get3A_589 = tpu.vector_load %arg12[%get3A_587, %get3A_588] {strides = array<i32>} : memref<32x1024xf32, #tpu.memory_space<vmem>>, vector<1x16xf32>,
        %get3A_590 = vector.shape_cast %get3A_589 : vector<1x16xf32> to vector<16xf32>
        %mul3A_591 = vector.broadcast %squeeze3A_585 : f32 to vector<16xf32>
        %mul3A_592 = arith.mulf %mul3A_591, %get3A_590 : vector<16xf32>
        %add3A_593 = arith.addf %add3A_575, %mul3A_592 : vector<16xf32>
        %get3A_594 = arith.constant 31 : i32
        %get3A_595 = arith.index_cast %get3A_594 : i32 to index
        %get3A_596 = arith.index_cast %mul3A_455 : i32 to index
        %get3A_597 = tpu.vector_load %arg13[%get3A_595, %get3A_596] {strides = array<i32>} : memref<32x1024xf32, #tpu.memory_space<vmem>>, vector<1x16xf32>,
        %get3A_598 = vector.shape_cast %get3A_597 : vector<1x16xf32> to vector<16xf32>
        %mul3A_599 = vector.broadcast %squeeze3A_585 : f32 to vector<16xf32>
        %mul3A_600 = arith.mulf %mul3A_599, %get3A_598 : vector<16xf32>
        %add3A_601 = arith.addf %add3A_583, %mul3A_600 : vector<16xf32>
        %swap3A = arith.constant 3 : i32
        %swap3A_602 = arith.index_cast %swap3A : i32 to index
        %swap3A_603 = arith.index_cast %mul3A_455 : i32 to index
        %swap3A_604 = tpu.vector_load %arg15[%swap3A_602, %swap3A_603] {strides = array<i32>} : memref<4x1024xf32, #tpu.memory_space<vmem>>, vector<1x16xf32>,
        %swap3A_605 = vector.shape_cast %swap3A_604 : vector<1x16xf32> to vector<16xf32>
        %swap3A_606 = vector.shape_cast %add3A_593 : vector<16xf32> to vector<1x16xf32>
        tpu.vector_store %arg15[%swap3A_602, %swap3A_603], %swap3A_606 {strides = array<i32>} : memref<4x1024xf32, #tpu.memory_space<vmem>>, vector<1x16xf32>,
        %swap3A_607 = arith.constant 3 : i32
        %swap3A_608 = arith.index_cast %swap3A_607 : i32 to index
        %swap3A_609 = arith.index_cast %mul3A_455 : i32 to index
        %swap3A_610 = tpu.vector_load %arg16[%swap3A_608, %swap3A_609] {strides = array<i32>} : memref<4x1024xf32, #tpu.memory_space<vmem>>, vector<1x16xf32>,
        %swap3A_611 = vector.shape_cast %swap3A_610 : vector<1x16xf32> to vector<16xf32>
        %swap3A_612 = vector.shape_cast %add3A_601 : vector<16xf32> to vector<1x16xf32>
        tpu.vector_store %arg16[%swap3A_608, %swap3A_609], %swap3A_612 {strides = array<i32>} : memref<4x1024xf32, #tpu.memory_space<vmem>>, vector<1x16xf32>,
        %get3A_613 = arith.constant 3 : i32
        %get3A_614 = arith.index_cast %get3A_613 : i32 to index
        %get3A_615 = arith.index_cast %mul3A_455 : i32 to index
        %get3A_616 = tpu.vector_load %arg14[%get3A_614, %get3A_615] {strides = array<i32>} : memref<4x1024xf32, #tpu.memory_space<vmem>>, vector<1x16xf32>,
        %get3A_617 = vector.shape_cast %get3A_616 : vector<1x16xf32> to vector<16xf32>
        %sub3A = arith.subf %add3A_601, %get3A_617 : vector<16xf32>
        %mul3A_618 = arith.mulf %sub3A, %sub3A : vector<16xf32>
        %add3A_619 = arith.addf %scan3A_453, %mul3A_618 : vector<16xf32>
        scf.yield %add3A_619 : vector<16xf32>
      }
      %scan3A_341 = arith.constant 64 : i32
      %add3A_342 = arith.constant 8 : i32
      %add3A_343 = vector.broadcast %add3A_342 : i32 to vector<16xi32>
      %add3A_344 = arith.addi %iota3A, %add3A_343 : vector<16xi32>
      %and3A_345 = arith.constant 15 : i32
      %and3A_346 = vector.broadcast %and3A_345 : i32 to vector<16xi32>
      %and3A_347 = arith.andi %add3A_344, %and3A_346 : vector<16xi32>
      %lt3A_348 = arith.constant 0 : i32
      %lt3A_349 = vector.broadcast %lt3A_348 : i32 to vector<16xi32>
      %lt3A_350 = arith.cmpi slt, %and3A_347, %lt3A_349 : vector<16xi32>
      %add3A_351 = arith.constant 16 : i32
      %add3A_352 = vector.broadcast %add3A_351 : i32 to vector<16xi32>
      %add3A_353 = arith.addi %and3A_347, %add3A_352 : vector<16xi32>
      %select_n3A_354 = arith.select %lt3A_350, %add3A_353, %and3A_347 : vector<16xi1>, vector<16xi32>
      %broadcast_in_dim3A_355 = vector.shape_cast %select_n3A_354 : vector<16xi32> to vector<16x1xi32>
      %gather3A_356 = vector.shape_cast %broadcast_in_dim3A_355 : vector<16x1xi32> to vector<16xi32>
      %gather3A_357 = tpu.dynamic_gather %scan3A_340[%gather3A_356] in [0] : vector<16xf32>, vector<16xi32> -> vector<16xf32>
      %add3A_358 = arith.addf %scan3A_340, %gather3A_357 : vector<16xf32>
      %add3A_359 = arith.constant 4 : i32
      %add3A_360 = vector.broadcast %add3A_359 : i32 to vector<16xi32>
      %add3A_361 = arith.addi %iota3A, %add3A_360 : vector<16xi32>
      %and3A_362 = arith.constant 15 : i32
      %and3A_363 = vector.broadcast %and3A_362 : i32 to vector<16xi32>
      %and3A_364 = arith.andi %add3A_361, %and3A_363 : vector<16xi32>
      %lt3A_365 = arith.constant 0 : i32
      %lt3A_366 = vector.broadcast %lt3A_365 : i32 to vector<16xi32>
      %lt3A_367 = arith.cmpi slt, %and3A_364, %lt3A_366 : vector<16xi32>
      %add3A_368 = arith.constant 16 : i32
      %add3A_369 = vector.broadcast %add3A_368 : i32 to vector<16xi32>
      %add3A_370 = arith.addi %and3A_364, %add3A_369 : vector<16xi32>
      %select_n3A_371 = arith.select %lt3A_367, %add3A_370, %and3A_364 : vector<16xi1>, vector<16xi32>
      %broadcast_in_dim3A_372 = vector.shape_cast %select_n3A_371 : vector<16xi32> to vector<16x1xi32>
      %gather3A_373 = vector.shape_cast %broadcast_in_dim3A_372 : vector<16x1xi32> to vector<16xi32>
      %gather3A_374 = tpu.dynamic_gather %add3A_358[%gather3A_373] in [0] : vector<16xf32>, vector<16xi32> -> vector<16xf32>
      %add3A_375 = arith.addf %add3A_358, %gather3A_374 : vector<16xf32>
      %add3A_376 = arith.constant 2 : i32
      %add3A_377 = vector.broadcast %add3A_376 : i32 to vector<16xi32>
      %add3A_378 = arith.addi %iota3A, %add3A_377 : vector<16xi32>
      %and3A_379 = arith.constant 15 : i32
      %and3A_380 = vector.broadcast %and3A_379 : i32 to vector<16xi32>
      %and3A_381 = arith.andi %add3A_378, %and3A_380 : vector<16xi32>
      %lt3A_382 = arith.constant 0 : i32
      %lt3A_383 = vector.broadcast %lt3A_382 : i32 to vector<16xi32>
      %lt3A_384 = arith.cmpi slt, %and3A_381, %lt3A_383 : vector<16xi32>
      %add3A_385 = arith.constant 16 : i32
      %add3A_386 = vector.broadcast %add3A_385 : i32 to vector<16xi32>
      %add3A_387 = arith.addi %and3A_381, %add3A_386 : vector<16xi32>
      %select_n3A_388 = arith.select %lt3A_384, %add3A_387, %and3A_381 : vector<16xi1>, vector<16xi32>
      %broadcast_in_dim3A_389 = vector.shape_cast %select_n3A_388 : vector<16xi32> to vector<16x1xi32>
      %gather3A_390 = vector.shape_cast %broadcast_in_dim3A_389 : vector<16x1xi32> to vector<16xi32>
      %gather3A_391 = tpu.dynamic_gather %add3A_375[%gather3A_390] in [0] : vector<16xf32>, vector<16xi32> -> vector<16xf32>
      %add3A_392 = arith.addf %add3A_375, %gather3A_391 : vector<16xf32>
      %add3A_393 = arith.constant 1 : i32
      %add3A_394 = vector.broadcast %add3A_393 : i32 to vector<16xi32>
      %add3A_395 = arith.addi %iota3A, %add3A_394 : vector<16xi32>
      %and3A_396 = arith.constant 15 : i32
      %and3A_397 = vector.broadcast %and3A_396 : i32 to vector<16xi32>
      %and3A_398 = arith.andi %add3A_395, %and3A_397 : vector<16xi32>
      %lt3A_399 = arith.constant 0 : i32
      %lt3A_400 = vector.broadcast %lt3A_399 : i32 to vector<16xi32>
      %lt3A_401 = arith.cmpi slt, %and3A_398, %lt3A_400 : vector<16xi32>
      %add3A_402 = arith.constant 16 : i32
      %add3A_403 = vector.broadcast %add3A_402 : i32 to vector<16xi32>
      %add3A_404 = arith.addi %and3A_398, %add3A_403 : vector<16xi32>
      %select_n3A_405 = arith.select %lt3A_401, %add3A_404, %and3A_398 : vector<16xi1>, vector<16xi32>
      %broadcast_in_dim3A_406 = vector.shape_cast %select_n3A_405 : vector<16xi32> to vector<16x1xi32>
      %gather3A_407 = vector.shape_cast %broadcast_in_dim3A_406 : vector<16x1xi32> to vector<16xi32>
      %gather3A_408 = tpu.dynamic_gather %add3A_392[%gather3A_407] in [0] : vector<16xf32>, vector<16xi32> -> vector<16xf32>
      %add3A_409 = arith.addf %add3A_392, %gather3A_408 : vector<16xf32>
      %mul3A_410 = arith.constant 4 : i32
      %mul3A_411 = arith.muli %scan3A_13, %mul3A_410 : i32
      %add3A_412 = arith.constant 3 : i32
      %add3A_413 = arith.addi %mul3A_411, %add3A_412 : i32
      %jit3A_414 = arith.constant 16 : i32
      %eq3A_415 = arith.constant 0 : i32
      %eq3A_416 = arith.cmpi eq, %jit3A_414, %eq3A_415 : i32
      %jit3A_417 = arith.constant 1 : i32
      %select_n3A_418 = arith.select %eq3A_416, %jit3A_417, %jit3A_414 : i32
      %rem3A_419 = arith.remsi %add3A_413, %select_n3A_418 : i32
      %ne3A_420 = arith.constant 0 : i32
      %ne3A_421 = arith.cmpi ne, %rem3A_419, %ne3A_420 : i32
      %lt3A_422 = arith.constant 0 : i32
      %lt3A_423 = arith.cmpi slt, %rem3A_419, %lt3A_422 : i32
      %lt3A_424 = arith.constant 0 : i32
      %lt3A_425 = arith.cmpi slt, %select_n3A_418, %lt3A_424 : i32
      %ne3A_426 = arith.xori %lt3A_423, %lt3A_425 : i1
      %and3A_427 = arith.andi %ne3A_426, %ne3A_421 : i1
      %add3A_428 = arith.addi %rem3A_419, %select_n3A_418 : i32
      %select_n3A_429 = arith.select %and3A_427, %add3A_428, %rem3A_419 : i32
      %eq3A_430 = vector.broadcast %select_n3A_429 : i32 to vector<16xi32>
      %eq3A_431 = arith.cmpi eq, %iota3A, %eq3A_430 : vector<16xi32>
      %select_n3A_432 = arith.select %eq3A_431, %add3A_409, %select_n3A_333 : vector<16xi1>, vector<16xf32>
      "tpu.region"() ({
        %run_scoped3A = tpu.sem_alloc : memref<!tpu.dma_semaphore, #tpu.memory_space<semaphore_mem>>
        %dma_start3A_452 = arith.constant 0 : i32
        %dma_start3A_453 = tpu.memref_slice %arg7[%add3A_17, %dma_start3A_452] : memref<2048x1024xf32, #tpu.memory_space<hbm>> -> memref<4x1024xf32, #tpu.memory_space<hbm>>
        %dma_start3A_454 = arith.constant 0 : i32
        %dma_start3A_455 = tpu.memref_slice %arg7[%add3A_17, %dma_start3A_454] : memref<2048x1024xf32, #tpu.memory_space<hbm>> -> memref<4x1024xf32, #tpu.memory_space<hbm>>
        tpu.enqueue_dma source(%arg15 : memref<4x1024xf32, #tpu.memory_space<vmem>>) target(%dma_start3A_455 : memref<4x1024xf32, #tpu.memory_space<hbm>>) target_semaphore(%run_scoped3A : memref<!tpu.dma_semaphore, #tpu.memory_space<semaphore_mem>>)
        %dma_wait3A_456 = arith.constant 0 : i32
        %dma_wait3A_457 = tpu.memref_slice %arg7[%add3A_17, %dma_wait3A_456] : memref<2048x1024xf32, #tpu.memory_space<hbm>> -> memref<4x1024xf32, #tpu.memory_space<hbm>>
        %dma_wait3A_458 = arith.constant 0 : i32
        %dma_wait3A_459 = tpu.memref_slice %arg7[%add3A_17, %dma_wait3A_458] : memref<2048x1024xf32, #tpu.memory_space<hbm>> -> memref<4x1024xf32, #tpu.memory_space<hbm>>
        tpu.wait_dma2 semaphore(%run_scoped3A : memref<!tpu.dma_semaphore, #tpu.memory_space<semaphore_mem>>) src(%arg15 : memref<4x1024xf32, #tpu.memory_space<vmem>>) dst(%dma_wait3A_459 : memref<4x1024xf32, #tpu.memory_space<hbm>>)
        tpu.yield
      }) : () -> ()
      "tpu.region"() ({
        %run_scoped3A = tpu.sem_alloc : memref<!tpu.dma_semaphore, #tpu.memory_space<semaphore_mem>>
        %dma_start3A_452 = arith.constant 0 : i32
        %dma_start3A_453 = tpu.memref_slice %arg8[%add3A_17, %dma_start3A_452] : memref<2048x1024xf32, #tpu.memory_space<hbm>> -> memref<4x1024xf32, #tpu.memory_space<hbm>>
        %dma_start3A_454 = arith.constant 0 : i32
        %dma_start3A_455 = tpu.memref_slice %arg8[%add3A_17, %dma_start3A_454] : memref<2048x1024xf32, #tpu.memory_space<hbm>> -> memref<4x1024xf32, #tpu.memory_space<hbm>>
        tpu.enqueue_dma source(%arg16 : memref<4x1024xf32, #tpu.memory_space<vmem>>) target(%dma_start3A_455 : memref<4x1024xf32, #tpu.memory_space<hbm>>) target_semaphore(%run_scoped3A : memref<!tpu.dma_semaphore, #tpu.memory_space<semaphore_mem>>)
        %dma_wait3A_456 = arith.constant 0 : i32
        %dma_wait3A_457 = tpu.memref_slice %arg8[%add3A_17, %dma_wait3A_456] : memref<2048x1024xf32, #tpu.memory_space<hbm>> -> memref<4x1024xf32, #tpu.memory_space<hbm>>
        %dma_wait3A_458 = arith.constant 0 : i32
        %dma_wait3A_459 = tpu.memref_slice %arg8[%add3A_17, %dma_wait3A_458] : memref<2048x1024xf32, #tpu.memory_space<hbm>> -> memref<4x1024xf32, #tpu.memory_space<hbm>>
        tpu.wait_dma2 semaphore(%run_scoped3A : memref<!tpu.dma_semaphore, #tpu.memory_space<semaphore_mem>>) src(%arg16 : memref<4x1024xf32, #tpu.memory_space<vmem>>) dst(%dma_wait3A_459 : memref<4x1024xf32, #tpu.memory_space<hbm>>)
        tpu.yield
      }) : () -> ()
      %jit3A_433 = arith.constant 4 : i32
      %eq3A_434 = arith.constant 0 : i32
      %eq3A_435 = arith.cmpi eq, %jit3A_433, %eq3A_434 : i32
      %jit3A_436 = arith.constant 1 : i32
      %select_n3A_437 = arith.select %eq3A_435, %jit3A_436, %jit3A_433 : i32
      %rem3A_438 = arith.remsi %scan3A_13, %select_n3A_437 : i32
      %ne3A_439 = arith.constant 0 : i32
      %ne3A_440 = arith.cmpi ne, %rem3A_438, %ne3A_439 : i32
      %lt3A_441 = arith.constant 0 : i32
      %lt3A_442 = arith.cmpi slt, %rem3A_438, %lt3A_441 : i32
      %lt3A_443 = arith.constant 0 : i32
      %lt3A_444 = arith.cmpi slt, %select_n3A_437, %lt3A_443 : i32
      %ne3A_445 = arith.xori %lt3A_442, %lt3A_444 : i1
      %and3A_446 = arith.andi %ne3A_445, %ne3A_440 : i1
      %add3A_447 = arith.addi %rem3A_438, %select_n3A_437 : i32
      %select_n3A_448 = arith.select %and3A_446, %add3A_447, %rem3A_438 : i32
      %eq3A_449 = arith.constant 3 : i32
      %eq3A_450 = arith.cmpi eq, %select_n3A_448, %eq3A_449 : i32
      %convert_element_type3A = arith.extui %eq3A_450 : i1 to i32
      %cond3A = arith.constant 0 : i32
      %cond3A_451 = arith.cmpi ne, %convert_element_type3A, %cond3A : i32
      scf.if %cond3A_451 {
        %jit3A_452 = arith.constant 4 : i32
        %div3A = arith.divsi %scan3A_13, %jit3A_452 : i32
        %sign3A = arith.constant 0 : i32
        %sign3A_453 = arith.cmpi sgt, %scan3A_13, %sign3A : i32
        %sign3A_454 = arith.extui %sign3A_453 : i1 to i32
        %sign3A_455 = arith.constant 0 : i32
        %sign3A_456 = arith.cmpi slt, %scan3A_13, %sign3A_455 : i32
        %sign3A_457 = arith.extui %sign3A_456 : i1 to i32
        %sign3A_458 = arith.subi %sign3A_454, %sign3A_457 : i32
        %sign3A_459 = arith.constant 0 : i32
        %sign3A_460 = arith.cmpi sgt, %jit3A_452, %sign3A_459 : i32
        %sign3A_461 = arith.extui %sign3A_460 : i1 to i32
        %sign3A_462 = arith.constant 0 : i32
        %sign3A_463 = arith.cmpi slt, %jit3A_452, %sign3A_462 : i32
        %sign3A_464 = arith.extui %sign3A_463 : i1 to i32
        %sign3A_465 = arith.subi %sign3A_461, %sign3A_464 : i32
        %ne3A_466 = arith.cmpi ne, %sign3A_458, %sign3A_465 : i32
        %rem3A_467 = arith.remsi %scan3A_13, %jit3A_452 : i32
        %ne3A_468 = arith.constant 0 : i32
        %ne3A_469 = arith.cmpi ne, %rem3A_467, %ne3A_468 : i32
        %and3A_470 = arith.andi %ne3A_466, %ne3A_469 : i1
        %sub3A = arith.constant 1 : i32
        %sub3A_471 = arith.subi %div3A, %sub3A : i32
        %select_n3A_472 = arith.select %and3A_470, %sub3A_471, %div3A : i32
        %mul3A_473 = arith.constant 16 : i32
        %mul3A_474 = arith.muli %select_n3A_472, %mul3A_473 : i32
        %swap3A = arith.index_cast %mul3A_474 : i32 to index
        %swap3A_475 = tpu.vector_load %arg17[%swap3A] {strides = array<i32>} : memref<64xf32, #tpu.memory_space<vmem>>, vector<16xf32>,
        %swap3A_476 = vector.shape_cast %swap3A_475 : vector<16xf32> to vector<16xf32>
        %swap3A_477 = vector.shape_cast %select_n3A_432 : vector<16xf32> to vector<16xf32>
        tpu.vector_store %arg17[%swap3A], %swap3A_477 {strides = array<i32>} : memref<64xf32, #tpu.memory_space<vmem>>, vector<16xf32>,
      } else {
      }
      scf.yield %select_n3A_432 : vector<16xf32>
    }
    %scan3A_12 = arith.constant 16 : i32
    "tpu.region"() ({
      %run_scoped3A = tpu.sem_alloc : memref<!tpu.dma_semaphore, #tpu.memory_space<semaphore_mem>>
      %dma_start3A = tpu.memref_slice %arg9[%mul3A_2] : memref<2048xf32, #tpu.memory_space<hbm>> -> memref<64xf32, #tpu.memory_space<hbm>>
      %dma_start3A_13 = tpu.memref_slice %arg9[%mul3A_2] : memref<2048xf32, #tpu.memory_space<hbm>> -> memref<64xf32, #tpu.memory_space<hbm>>
      tpu.enqueue_dma source(%arg17 : memref<64xf32, #tpu.memory_space<vmem>>) target(%dma_start3A_13 : memref<64xf32, #tpu.memory_space<hbm>>) target_semaphore(%run_scoped3A : memref<!tpu.dma_semaphore, #tpu.memory_space<semaphore_mem>>)
      %dma_wait3A = tpu.memref_slice %arg9[%mul3A_2] : memref<2048xf32, #tpu.memory_space<hbm>> -> memref<64xf32, #tpu.memory_space<hbm>>
      %dma_wait3A_14 = tpu.memref_slice %arg9[%mul3A_2] : memref<2048xf32, #tpu.memory_space<hbm>> -> memref<64xf32, #tpu.memory_space<hbm>>
      tpu.wait_dma2 semaphore(%run_scoped3A : memref<!tpu.dma_semaphore, #tpu.memory_space<semaphore_mem>>) src(%arg17 : memref<64xf32, #tpu.memory_space<vmem>>) dst(%dma_wait3A_14 : memref<64xf32, #tpu.memory_space<hbm>>)
      tpu.yield
    }) : () -> ()
    return
  }
}

module attributes {stable_mosaic.version = 14 : i64} {
  func.func @_pursuit_body(%arg0: i32, %arg1: memref<512x1024xf32, #tpu.memory_space<vmem>>, %arg2: memref<1024x1024xf32, #tpu.memory_space<vmem>>, %arg3: memref<512x8xf32, #tpu.memory_space<vmem>>, %arg4: memref<512x8xi32, #tpu.memory_space<vmem>>) attributes {dimension_semantics = [#tpu.dimension_semantics<arbitrary>], iteration_bounds = array<i64: 4>, scalar_prefetch = 0 : i64, scratch_operands = 0 : i64, tpu.core_type = #tpu.core_type<tc>, window_params = [{transform_indices = @transform_0, window_bounds = array<i64: 512, 1024>}, {pipeline_mode = #tpu.pipeline_mode<synchronous>, transform_indices = @transform_1, window_bounds = array<i64: 1024, 1024>}, {transform_indices = @transform_2, window_bounds = array<i64: 512, 8>}, {transform_indices = @transform_3, window_bounds = array<i64: 512, 8>}]} {
    %get3A = arith.constant 0 : index
    %get3A_0 = arith.constant 0 : index
    %get3A_1 = vector.load %arg2[%get3A, %get3A_0] : memref<1024x1024xf32, #tpu.memory_space<vmem>>, vector<1024x1024xf32>
    %convert_element_type3A = arith.truncf %get3A_1 : vector<1024x1024xf32> to vector<1024x1024xbf16>
    %iota3A = tpu.iota {dimensions = array<i32: 1>} : vector<512x1024xi32>
    %get3A_2 = arith.constant 0 : index
    %get3A_3 = arith.constant 0 : index
    %get3A_4 = vector.load %arg1[%get3A_2, %get3A_3] : memref<512x1024xf32, #tpu.memory_space<vmem>>, vector<512x1024xf32>
    %broadcast_in_dim3A = arith.constant 0.000000e+00 : f32
    %broadcast_in_dim3A_5 = vector.broadcast %broadcast_in_dim3A : f32 to vector<512x1024xf32>
    %scan3A = arith.constant 0 : i32
    %scan3A_6 = arith.constant 8 : i32
    %scan3A_7 = arith.addi %scan3A, %scan3A_6 : i32
    %scan3A_8 = arith.constant 1 : i32
    %scan3A_9 = scf.for %scan3A_134 = %scan3A to %scan3A_7 step %scan3A_8 iter_args(%scan3A_135 = %broadcast_in_dim3A_5) -> (vector<512x1024xf32>)  : i32 {
      %convert_element_type3A_136 = arith.truncf %scan3A_135 : vector<512x1024xf32> to vector<512x1024xbf16>
      %dot_general3A = arith.constant dense<0.000000e+00> : vector<512x1024xf32>
      %dot_general3A_137 = tpu.matmul %convert_element_type3A_136, %convert_element_type3A, %dot_general3A {dimension_numbers = #tpu.dot_dimension_numbers<[1], [0], [0], [1], [0, 0, 1, 1], [], []>, transpose_lhs_hint = false} : vector<512x1024xbf16>, vector<1024x1024xbf16>, vector<512x1024xf32> -> vector<512x1024xf32>
      %sub3A = arith.subf %get3A_4, %dot_general3A_137 : vector<512x1024xf32>
      %convert_element_type3A_138 = arith.truncf %sub3A : vector<512x1024xf32> to vector<512x1024xbf16>
      %dot_general3A_139 = arith.constant dense<0.000000e+00> : vector<512x1024xf32>
      %dot_general3A_140 = tpu.matmul %convert_element_type3A_138, %convert_element_type3A, %dot_general3A_139 {dimension_numbers = #tpu.dot_dimension_numbers<[1], [1], [0], [0], [0, 0, 1, 0], [], []>, transpose_lhs_hint = false} : vector<512x1024xbf16>, vector<1024x1024xbf16>, vector<512x1024xf32> -> vector<512x1024xf32>
      %argmax3A = tpu.reduce_index %dot_general3A_140 {axis = 1 : i32, kind = #tpu.reduction_kind<arg_max>} : vector<512x1024xf32> -> vector<512xi32>
      %broadcast_in_dim3A_141 = vector.shape_cast %argmax3A : vector<512xi32> to vector<512x1xi32>
      %ne3A = arith.constant 0.000000e+00 : f32
      %ne3A_142 = vector.broadcast %ne3A : f32 to vector<512x1024xf32>
      %ne3A_143 = arith.cmpf one, %scan3A_135, %ne3A_142 : vector<512x1024xf32>
      %eq3A_144 = vector.broadcast %broadcast_in_dim3A_141 : vector<512x1xi32> to vector<512x1024xi32>
      %eq3A_145 = arith.cmpi eq, %iota3A, %eq3A_144 : vector<512x1024xi32>
      %or3A = arith.ori %ne3A_143, %eq3A_145 : vector<512x1024xi1>
      %jit3A_146 = arith.constant 0.000000e+00 : f32
      %broadcast_in_dim3A_147 = vector.broadcast %jit3A_146 : f32 to vector<512x1024xf32>
      %select_n3A_148 = arith.select %or3A, %dot_general3A_140, %broadcast_in_dim3A_147 : vector<512x1024xi1>, vector<512x1024xf32>
      %convert_element_type3A_149 = arith.truncf %select_n3A_148 : vector<512x1024xf32> to vector<512x1024xbf16>
      %dot_general3A_150 = arith.constant dense<0.000000e+00> : vector<512x1024xf32>
      %dot_general3A_151 = tpu.matmul %convert_element_type3A_149, %convert_element_type3A, %dot_general3A_150 {dimension_numbers = #tpu.dot_dimension_numbers<[1], [0], [0], [1], [0, 0, 1, 1], [], []>, transpose_lhs_hint = false} : vector<512x1024xbf16>, vector<1024x1024xbf16>, vector<512x1024xf32> -> vector<512x1024xf32>
      %mul3A = arith.mulf %dot_general3A_151, %sub3A : vector<512x1024xf32>
      %reduce_sum3A = arith.constant dense<0.000000e+00> : vector<512xf32>
      %reduce_sum3A_152 = vector.multi_reduction <add>, %mul3A, %reduce_sum3A [1] : vector<512x1024xf32> to vector<512xf32>
      %broadcast_in_dim3A_153 = vector.shape_cast %reduce_sum3A_152 : vector<512xf32> to vector<512x1xf32>
      %mul3A_154 = arith.mulf %dot_general3A_151, %dot_general3A_151 : vector<512x1024xf32>
      %reduce_sum3A_155 = arith.constant dense<0.000000e+00> : vector<512xf32>
      %reduce_sum3A_156 = vector.multi_reduction <add>, %mul3A_154, %reduce_sum3A_155 [1] : vector<512x1024xf32> to vector<512xf32>
      %broadcast_in_dim3A_157 = vector.shape_cast %reduce_sum3A_156 : vector<512xf32> to vector<512x1xf32>
      %max3A = arith.constant 1.000000e-03 : f32
      %max3A_158 = vector.broadcast %max3A : f32 to vector<512x1xf32>
      %max3A_159 = arith.maximumf %broadcast_in_dim3A_157, %max3A_158 : vector<512x1xf32>
      %div3A = arith.divf %broadcast_in_dim3A_153, %max3A_159 : vector<512x1xf32>
      %mul3A_160 = vector.broadcast %div3A : vector<512x1xf32> to vector<512x1024xf32>
      %mul3A_161 = arith.mulf %mul3A_160, %select_n3A_148 : vector<512x1024xf32>
      %add3A = arith.addf %scan3A_135, %mul3A_161 : vector<512x1024xf32>
      %max3A_162 = arith.constant 0.000000e+00 : f32
      %max3A_163 = vector.broadcast %max3A_162 : f32 to vector<512x1024xf32>
      %max3A_164 = arith.maximumf %add3A, %max3A_163 : vector<512x1024xf32>
      scf.yield %max3A_164 : vector<512x1024xf32>
    }
    %reduce_max3A = arith.constant dense<0xFF800000> : vector<512xf32>
    %reduce_max3A_10 = vector.multi_reduction <maximumf>, %scan3A_9, %reduce_max3A [1] : vector<512x1024xf32> to vector<512xf32>
    %broadcast_in_dim3A_11 = vector.shape_cast %reduce_max3A_10 : vector<512xf32> to vector<512x1xf32>
    %eq3A = vector.broadcast %broadcast_in_dim3A_11 : vector<512x1xf32> to vector<512x1024xf32>
    %eq3A_12 = arith.cmpf oeq, %scan3A_9, %eq3A : vector<512x1024xf32>
    %jit3A = arith.constant 1024 : i32
    %broadcast_in_dim3A_13 = vector.broadcast %jit3A : i32 to vector<512x1024xi32>
    %select_n3A = arith.select %eq3A_12, %iota3A, %broadcast_in_dim3A_13 : vector<512x1024xi1>, vector<512x1024xi32>
    %reduce_min3A = arith.constant dense<2147483647> : vector<512xi32>
    %reduce_min3A_14 = vector.multi_reduction <minsi>, %select_n3A, %reduce_min3A [1] : vector<512x1024xi32> to vector<512xi32>
    %broadcast_in_dim3A_15 = vector.shape_cast %reduce_min3A_14 : vector<512xi32> to vector<512x1xi32>
    %eq3A_16 = vector.broadcast %broadcast_in_dim3A_15 : vector<512x1xi32> to vector<512x1024xi32>
    %eq3A_17 = arith.cmpi eq, %iota3A, %eq3A_16 : vector<512x1024xi32>
    %jit3A_18 = arith.constant -1.000000e+00 : f32
    %broadcast_in_dim3A_19 = vector.broadcast %jit3A_18 : f32 to vector<512x1024xf32>
    %select_n3A_20 = arith.select %eq3A_17, %broadcast_in_dim3A_19, %scan3A_9 : vector<512x1024xi1>, vector<512x1024xf32>
    %reduce_max3A_21 = arith.constant dense<0xFF800000> : vector<512xf32>
    %reduce_max3A_22 = vector.multi_reduction <maximumf>, %select_n3A_20, %reduce_max3A_21 [1] : vector<512x1024xf32> to vector<512xf32>
    %broadcast_in_dim3A_23 = vector.shape_cast %reduce_max3A_22 : vector<512xf32> to vector<512x1xf32>
    %eq3A_24 = vector.broadcast %broadcast_in_dim3A_23 : vector<512x1xf32> to vector<512x1024xf32>
    %eq3A_25 = arith.cmpf oeq, %select_n3A_20, %eq3A_24 : vector<512x1024xf32>
    %jit3A_26 = arith.constant 1024 : i32
    %broadcast_in_dim3A_27 = vector.broadcast %jit3A_26 : i32 to vector<512x1024xi32>
    %select_n3A_28 = arith.select %eq3A_25, %iota3A, %broadcast_in_dim3A_27 : vector<512x1024xi1>, vector<512x1024xi32>
    %reduce_min3A_29 = arith.constant dense<2147483647> : vector<512xi32>
    %reduce_min3A_30 = vector.multi_reduction <minsi>, %select_n3A_28, %reduce_min3A_29 [1] : vector<512x1024xi32> to vector<512xi32>
    %broadcast_in_dim3A_31 = vector.shape_cast %reduce_min3A_30 : vector<512xi32> to vector<512x1xi32>
    %eq3A_32 = vector.broadcast %broadcast_in_dim3A_31 : vector<512x1xi32> to vector<512x1024xi32>
    %eq3A_33 = arith.cmpi eq, %iota3A, %eq3A_32 : vector<512x1024xi32>
    %jit3A_34 = arith.constant -1.000000e+00 : f32
    %broadcast_in_dim3A_35 = vector.broadcast %jit3A_34 : f32 to vector<512x1024xf32>
    %select_n3A_36 = arith.select %eq3A_33, %broadcast_in_dim3A_35, %select_n3A_20 : vector<512x1024xi1>, vector<512x1024xf32>
    %reduce_max3A_37 = arith.constant dense<0xFF800000> : vector<512xf32>
    %reduce_max3A_38 = vector.multi_reduction <maximumf>, %select_n3A_36, %reduce_max3A_37 [1] : vector<512x1024xf32> to vector<512xf32>
    %broadcast_in_dim3A_39 = vector.shape_cast %reduce_max3A_38 : vector<512xf32> to vector<512x1xf32>
    %eq3A_40 = vector.broadcast %broadcast_in_dim3A_39 : vector<512x1xf32> to vector<512x1024xf32>
    %eq3A_41 = arith.cmpf oeq, %select_n3A_36, %eq3A_40 : vector<512x1024xf32>
    %jit3A_42 = arith.constant 1024 : i32
    %broadcast_in_dim3A_43 = vector.broadcast %jit3A_42 : i32 to vector<512x1024xi32>
    %select_n3A_44 = arith.select %eq3A_41, %iota3A, %broadcast_in_dim3A_43 : vector<512x1024xi1>, vector<512x1024xi32>
    %reduce_min3A_45 = arith.constant dense<2147483647> : vector<512xi32>
    %reduce_min3A_46 = vector.multi_reduction <minsi>, %select_n3A_44, %reduce_min3A_45 [1] : vector<512x1024xi32> to vector<512xi32>
    %broadcast_in_dim3A_47 = vector.shape_cast %reduce_min3A_46 : vector<512xi32> to vector<512x1xi32>
    %eq3A_48 = vector.broadcast %broadcast_in_dim3A_47 : vector<512x1xi32> to vector<512x1024xi32>
    %eq3A_49 = arith.cmpi eq, %iota3A, %eq3A_48 : vector<512x1024xi32>
    %jit3A_50 = arith.constant -1.000000e+00 : f32
    %broadcast_in_dim3A_51 = vector.broadcast %jit3A_50 : f32 to vector<512x1024xf32>
    %select_n3A_52 = arith.select %eq3A_49, %broadcast_in_dim3A_51, %select_n3A_36 : vector<512x1024xi1>, vector<512x1024xf32>
    %reduce_max3A_53 = arith.constant dense<0xFF800000> : vector<512xf32>
    %reduce_max3A_54 = vector.multi_reduction <maximumf>, %select_n3A_52, %reduce_max3A_53 [1] : vector<512x1024xf32> to vector<512xf32>
    %broadcast_in_dim3A_55 = vector.shape_cast %reduce_max3A_54 : vector<512xf32> to vector<512x1xf32>
    %eq3A_56 = vector.broadcast %broadcast_in_dim3A_55 : vector<512x1xf32> to vector<512x1024xf32>
    %eq3A_57 = arith.cmpf oeq, %select_n3A_52, %eq3A_56 : vector<512x1024xf32>
    %jit3A_58 = arith.constant 1024 : i32
    %broadcast_in_dim3A_59 = vector.broadcast %jit3A_58 : i32 to vector<512x1024xi32>
    %select_n3A_60 = arith.select %eq3A_57, %iota3A, %broadcast_in_dim3A_59 : vector<512x1024xi1>, vector<512x1024xi32>
    %reduce_min3A_61 = arith.constant dense<2147483647> : vector<512xi32>
    %reduce_min3A_62 = vector.multi_reduction <minsi>, %select_n3A_60, %reduce_min3A_61 [1] : vector<512x1024xi32> to vector<512xi32>
    %broadcast_in_dim3A_63 = vector.shape_cast %reduce_min3A_62 : vector<512xi32> to vector<512x1xi32>
    %eq3A_64 = vector.broadcast %broadcast_in_dim3A_63 : vector<512x1xi32> to vector<512x1024xi32>
    %eq3A_65 = arith.cmpi eq, %iota3A, %eq3A_64 : vector<512x1024xi32>
    %jit3A_66 = arith.constant -1.000000e+00 : f32
    %broadcast_in_dim3A_67 = vector.broadcast %jit3A_66 : f32 to vector<512x1024xf32>
    %select_n3A_68 = arith.select %eq3A_65, %broadcast_in_dim3A_67, %select_n3A_52 : vector<512x1024xi1>, vector<512x1024xf32>
    %reduce_max3A_69 = arith.constant dense<0xFF800000> : vector<512xf32>
    %reduce_max3A_70 = vector.multi_reduction <maximumf>, %select_n3A_68, %reduce_max3A_69 [1] : vector<512x1024xf32> to vector<512xf32>
    %broadcast_in_dim3A_71 = vector.shape_cast %reduce_max3A_70 : vector<512xf32> to vector<512x1xf32>
    %eq3A_72 = vector.broadcast %broadcast_in_dim3A_71 : vector<512x1xf32> to vector<512x1024xf32>
    %eq3A_73 = arith.cmpf oeq, %select_n3A_68, %eq3A_72 : vector<512x1024xf32>
    %jit3A_74 = arith.constant 1024 : i32
    %broadcast_in_dim3A_75 = vector.broadcast %jit3A_74 : i32 to vector<512x1024xi32>
    %select_n3A_76 = arith.select %eq3A_73, %iota3A, %broadcast_in_dim3A_75 : vector<512x1024xi1>, vector<512x1024xi32>
    %reduce_min3A_77 = arith.constant dense<2147483647> : vector<512xi32>
    %reduce_min3A_78 = vector.multi_reduction <minsi>, %select_n3A_76, %reduce_min3A_77 [1] : vector<512x1024xi32> to vector<512xi32>
    %broadcast_in_dim3A_79 = vector.shape_cast %reduce_min3A_78 : vector<512xi32> to vector<512x1xi32>
    %eq3A_80 = vector.broadcast %broadcast_in_dim3A_79 : vector<512x1xi32> to vector<512x1024xi32>
    %eq3A_81 = arith.cmpi eq, %iota3A, %eq3A_80 : vector<512x1024xi32>
    %jit3A_82 = arith.constant -1.000000e+00 : f32
    %broadcast_in_dim3A_83 = vector.broadcast %jit3A_82 : f32 to vector<512x1024xf32>
    %select_n3A_84 = arith.select %eq3A_81, %broadcast_in_dim3A_83, %select_n3A_68 : vector<512x1024xi1>, vector<512x1024xf32>
    %reduce_max3A_85 = arith.constant dense<0xFF800000> : vector<512xf32>
    %reduce_max3A_86 = vector.multi_reduction <maximumf>, %select_n3A_84, %reduce_max3A_85 [1] : vector<512x1024xf32> to vector<512xf32>
    %broadcast_in_dim3A_87 = vector.shape_cast %reduce_max3A_86 : vector<512xf32> to vector<512x1xf32>
    %eq3A_88 = vector.broadcast %broadcast_in_dim3A_87 : vector<512x1xf32> to vector<512x1024xf32>
    %eq3A_89 = arith.cmpf oeq, %select_n3A_84, %eq3A_88 : vector<512x1024xf32>
    %jit3A_90 = arith.constant 1024 : i32
    %broadcast_in_dim3A_91 = vector.broadcast %jit3A_90 : i32 to vector<512x1024xi32>
    %select_n3A_92 = arith.select %eq3A_89, %iota3A, %broadcast_in_dim3A_91 : vector<512x1024xi1>, vector<512x1024xi32>
    %reduce_min3A_93 = arith.constant dense<2147483647> : vector<512xi32>
    %reduce_min3A_94 = vector.multi_reduction <minsi>, %select_n3A_92, %reduce_min3A_93 [1] : vector<512x1024xi32> to vector<512xi32>
    %broadcast_in_dim3A_95 = vector.shape_cast %reduce_min3A_94 : vector<512xi32> to vector<512x1xi32>
    %eq3A_96 = vector.broadcast %broadcast_in_dim3A_95 : vector<512x1xi32> to vector<512x1024xi32>
    %eq3A_97 = arith.cmpi eq, %iota3A, %eq3A_96 : vector<512x1024xi32>
    %jit3A_98 = arith.constant -1.000000e+00 : f32
    %broadcast_in_dim3A_99 = vector.broadcast %jit3A_98 : f32 to vector<512x1024xf32>
    %select_n3A_100 = arith.select %eq3A_97, %broadcast_in_dim3A_99, %select_n3A_84 : vector<512x1024xi1>, vector<512x1024xf32>
    %reduce_max3A_101 = arith.constant dense<0xFF800000> : vector<512xf32>
    %reduce_max3A_102 = vector.multi_reduction <maximumf>, %select_n3A_100, %reduce_max3A_101 [1] : vector<512x1024xf32> to vector<512xf32>
    %broadcast_in_dim3A_103 = vector.shape_cast %reduce_max3A_102 : vector<512xf32> to vector<512x1xf32>
    %eq3A_104 = vector.broadcast %broadcast_in_dim3A_103 : vector<512x1xf32> to vector<512x1024xf32>
    %eq3A_105 = arith.cmpf oeq, %select_n3A_100, %eq3A_104 : vector<512x1024xf32>
    %jit3A_106 = arith.constant 1024 : i32
    %broadcast_in_dim3A_107 = vector.broadcast %jit3A_106 : i32 to vector<512x1024xi32>
    %select_n3A_108 = arith.select %eq3A_105, %iota3A, %broadcast_in_dim3A_107 : vector<512x1024xi1>, vector<512x1024xi32>
    %reduce_min3A_109 = arith.constant dense<2147483647> : vector<512xi32>
    %reduce_min3A_110 = vector.multi_reduction <minsi>, %select_n3A_108, %reduce_min3A_109 [1] : vector<512x1024xi32> to vector<512xi32>
    %broadcast_in_dim3A_111 = vector.shape_cast %reduce_min3A_110 : vector<512xi32> to vector<512x1xi32>
    %eq3A_112 = vector.broadcast %broadcast_in_dim3A_111 : vector<512x1xi32> to vector<512x1024xi32>
    %eq3A_113 = arith.cmpi eq, %iota3A, %eq3A_112 : vector<512x1024xi32>
    %jit3A_114 = arith.constant -1.000000e+00 : f32
    %broadcast_in_dim3A_115 = vector.broadcast %jit3A_114 : f32 to vector<512x1024xf32>
    %select_n3A_116 = arith.select %eq3A_113, %broadcast_in_dim3A_115, %select_n3A_100 : vector<512x1024xi1>, vector<512x1024xf32>
    %reduce_max3A_117 = arith.constant dense<0xFF800000> : vector<512xf32>
    %reduce_max3A_118 = vector.multi_reduction <maximumf>, %select_n3A_116, %reduce_max3A_117 [1] : vector<512x1024xf32> to vector<512xf32>
    %broadcast_in_dim3A_119 = vector.shape_cast %reduce_max3A_118 : vector<512xf32> to vector<512x1xf32>
    %eq3A_120 = vector.broadcast %broadcast_in_dim3A_119 : vector<512x1xf32> to vector<512x1024xf32>
    %eq3A_121 = arith.cmpf oeq, %select_n3A_116, %eq3A_120 : vector<512x1024xf32>
    %jit3A_122 = arith.constant 1024 : i32
    %broadcast_in_dim3A_123 = vector.broadcast %jit3A_122 : i32 to vector<512x1024xi32>
    %select_n3A_124 = arith.select %eq3A_121, %iota3A, %broadcast_in_dim3A_123 : vector<512x1024xi1>, vector<512x1024xi32>
    %reduce_min3A_125 = arith.constant dense<2147483647> : vector<512xi32>
    %reduce_min3A_126 = vector.multi_reduction <minsi>, %select_n3A_124, %reduce_min3A_125 [1] : vector<512x1024xi32> to vector<512xi32>
    %broadcast_in_dim3A_127 = vector.shape_cast %reduce_min3A_126 : vector<512xi32> to vector<512x1xi32>
    %concatenate3A = tpu.concatenate %broadcast_in_dim3A_11, %broadcast_in_dim3A_23, %broadcast_in_dim3A_39, %broadcast_in_dim3A_55, %broadcast_in_dim3A_71, %broadcast_in_dim3A_87, %broadcast_in_dim3A_103, %broadcast_in_dim3A_119 in 1 : vector<512x1xf32>, vector<512x1xf32>, vector<512x1xf32>, vector<512x1xf32>, vector<512x1xf32>, vector<512x1xf32>, vector<512x1xf32>, vector<512x1xf32> -> vector<512x8xf32>
    %swap3A = arith.constant 0 : index
    %swap3A_128 = arith.constant 0 : index
    %swap3A_129 = vector.load %arg3[%swap3A, %swap3A_128] : memref<512x8xf32, #tpu.memory_space<vmem>>, vector<512x8xf32>
    tpu.vector_store %arg3[%swap3A, %swap3A_128], %concatenate3A {strides = array<i32>} : memref<512x8xf32, #tpu.memory_space<vmem>>, vector<512x8xf32>,
    %concatenate3A_130 = tpu.concatenate %broadcast_in_dim3A_15, %broadcast_in_dim3A_31, %broadcast_in_dim3A_47, %broadcast_in_dim3A_63, %broadcast_in_dim3A_79, %broadcast_in_dim3A_95, %broadcast_in_dim3A_111, %broadcast_in_dim3A_127 in 1 : vector<512x1xi32>, vector<512x1xi32>, vector<512x1xi32>, vector<512x1xi32>, vector<512x1xi32>, vector<512x1xi32>, vector<512x1xi32>, vector<512x1xi32> -> vector<512x8xi32>
    %swap3A_131 = arith.constant 0 : index
    %swap3A_132 = arith.constant 0 : index
    %swap3A_133 = vector.load %arg4[%swap3A_131, %swap3A_132] : memref<512x8xi32, #tpu.memory_space<vmem>>, vector<512x8xi32>
    tpu.vector_store %arg4[%swap3A_131, %swap3A_132], %concatenate3A_130 {strides = array<i32>} : memref<512x8xi32, #tpu.memory_space<vmem>>, vector<512x8xi32>,
    return
  }
  func.func @transform_0(%arg0: i32) -> (i32, i32) {
    %c0_i32 = arith.constant 0 : i32
    %c0_i32_0 = arith.constant 0 : i32
    return %arg0, %c0_i32 : i32, i32
  }
  func.func @transform_1(%arg0: i32) -> (i32, i32) {
    %c0_i32 = arith.constant 0 : i32
    %c0_i32_0 = arith.constant 0 : i32
    %c0_i32_1 = arith.constant 0 : i32
    return %c0_i32, %c0_i32_0 : i32, i32
  }
  func.func @transform_2(%arg0: i32) -> (i32, i32) {
    %c0_i32 = arith.constant 0 : i32
    %c0_i32_0 = arith.constant 0 : i32
    return %arg0, %c0_i32 : i32, i32
  }
  func.func @transform_3(%arg0: i32) -> (i32, i32) {
    %c0_i32 = arith.constant 0 : i32
    %c0_i32_0 = arith.constant 0 : i32
    return %arg0, %c0_i32 : i32, i32
  }
}

</mosaic_0001>

<sc_bundles>
// kernel: kernel.4.cloned.1.call-start
scs
__scs_entry_jumppad:
0x0: {  	(pc) =	sbr.rel $0x88, $3  }
0x1: {  	(tag) =	ssettag $0x0;
	lr =	simm.s32 $0x1  }
0x2: {  	[smem:$0x3F9D] =	sst lr;
	_ =	strace $0xD0000000  }
0x3: {  	_ = 	snop  }
0x4: {  	_ = 	snop  }
0x5: {  	_ = 	snop  }
0x6: {  	_ = 	snop  }
0x7: {  	_ = 	snop  }
__scs_overlays_trampoline_lowered:
0x8: {  	[smem:$0x3FAC] =	sst s0  }
0x9: {  	[smem:$0x3FAD] =	sst s1  }
0xa: {  	[smem:$0x3FAE] =	sst s2  }
0xb: {  	[smem:$0x3FAF] =	sst s3  }
0xc: {  	[smem:$0x3FB0] =	sst s4  }
0xd: {  	[smem:$0x3FB1] =	sst s5  }
0xe: {  	[smem:$0x3FB2] =	sst s6  }
0xf: {  	[smem:$0x3FB3] =	sst s7  }
0x10: {  	[smem:$0x3FB4] =	sst s8  }
0x11: {  	[smem:$0x3FB5] =	sst s9;
	s0 =	simm.s32 @!p0 $0x0  }
0x12: {  	s1 =	sld [smem:$0x3F9B];
	s0 =	simm.s32 @p0 $0x1  }
0x13: {  	[smem:$0x3FB6] =	sst s0;
	s0 =	simm.s32 @!p1 $0x0  }
0x14: {  	s2 =	sld [smem:$0x3F9A];
	s0 =	simm.s32 @p1 $0x1  }
0x15: {  	[smem:$0x3FB7] =	sst s0;
	s0 =	simm.s32 @!p2 $0x0  }
0x16: {  	s3 =	sld [smem:$0x3FDB];
	s0 =	simm.s32 @p2 $0x1  }
0x17: {  	s4 =	simm.s32 $0x1BF5;
	[smem:$0x3FB9] =	sst s0  }
0x18: {  	s0 =	sld [smem:$0x3F9C];
	_ =	swait.ge [sflag:s4], $0x0  }
0x19: {  	s7 =	sld [smem:$0x3F9D]  }
0x1a: {  	s8 =	sadd.s32 $0xFFFFE003, lr  }
0x1b: {  	s9 =	sadd.s32 $0xFFFFFEF7, lr;
	s5 =	simm.s32 $0xFFFFFFFF;
	p2 =	slt.u32 s8, $0xFFFFF086  }
0x1c: {  	p1 =	slt.u32 s9, $0xF7A;
	s5 =	simm.s32 @!p2 $0x0  }
0x1d: {  	s5 =	simm.s32 @p1 $0x1;
	p0 =	seq.s32 s7, s2  }
0x1e: {  	s7 =	smul.u32 @!p0 $0xF7A, s2;
	p2 =	seq.s32 @!p0 s5, $0x0  }
0x1f: {  	s9 =	smul.u32 $0xF7A, s1;
	s8 =	simm.s32 @!p0 $0x1BF5;
	p2 =	por !p2, p0  }
0x20: {  	[sflag:s8] =	ssyncset.s32 @!p0 $0xFFFFF086;
	s6 =	sadd.s32 @!p0 s3, s7;
	s7 =	simm.s32 @!p0 $0x108  }
0x21: {  	s3 =	sadd.s32 s3, s9;
	s6 =	sadd.s32 @!p0 $0x88, s6;
	s7 =	simm.s32 @p2 $0x1082  }
0x22: {  	[simem:s7], [sflag:s8] =	dma.local @!p0 [hbm:s6], $0xF7A  }
0x23: {  	s9 =	sor.u32 $0xD0000000, s2;
	s6 =	simm.s32 $0x108;
	_ =	swait.ge @!p0 [sflag:s8], $0x0  }
0x24: {  	s3 =	sadd.s32 $0x88, s3;
	s6 =	simm.s32 @!p1 $0x1082;
	[sflag:s4] =	ssyncset.s32 $0xFFFFF086  }
0x25: {  	[simem:s6], [sflag:s4] =	dma.local [hbm:s3], $0xF7A  }
0x26: {  	[smem:$0x3F9D] =	sst s1;
	(tag) =	ssettag s2;
	_ =	strace s9  }
0x27: {  	s1 =	sld [smem:$0x3FAD]  }
0x28: {  	s2 =	sld [smem:$0x3FAE]  }
0x29: {  	s4 =	sld [smem:$0x3FB0]  }
0x2a: {  	p0 =	seq.s32 s5, $0x0;
	s5 =	sld [smem:$0x3FB1]  }
0x2b: {  	s6 =	sld [smem:$0x3FB2]  }
0x2c: {  	s7 =	sld [smem:$0x3FB3]  }
0x2d: {  	s3 =	simm.s32 $0x108;
	s8 =	sld [smem:$0x3FB4]  }
0x2e: {  	s3 =	simm.s32 @!p0 $0x1082;
	s9 =	sld [smem:$0x3FB5]  }
0x2f: {  	lr =	sadd.s32 s0, s3;
	s0 =	sld [smem:$0x3FAC]  }
0x30: {  	s3 =	sld [smem:$0x3FAF]  }
0x31: {  	[smem:$0x3FB8] =	sst s10  }
0x32: {  	s10 =	sld [smem:$0x3FB6];
	_ =	sdelay $0x3  }
0x33: {  	p0 =	seq.s32 s10, $0x1;
	s10 =	sld [smem:$0x3FB8];
	_ =	sdelay $0x3  }
0x34: {  	[smem:$0x3FB8] =	sst s10  }
0x35: {  	s10 =	sld [smem:$0x3FB7];
	_ =	sdelay $0x3  }
0x36: {  	p1 =	seq.s32 s10, $0x1;
	s10 =	sld [smem:$0x3FB8];
	_ =	sdelay $0x3  }
0x37: {  	[smem:$0x3FB8] =	sst s10  }
0x38: {  	s10 =	sld [smem:$0x3FB9]  }
0x39: {  	_ = 	snop;
	(pc) =	sbr.ind lr, $3  }
0x3a: {  	_ = 	snop  }
0x3b: {  	_ = 	snop  }
0x3c: {  	p2 =	seq.s32 s10, $0x1;
	s10 =	sld [smem:$0x3FB8]  }
0x3d: {  	_ =	shalt  }
0x3e: {  	_ =	shalt  }
0x3f: {  	_ =	shalt  }
0x40: {  	_ =	shalt  }
0x41: {  	_ =	shalt  }
0x42: {  	_ =	shalt  }
0x43: {  	_ =	shalt  }
0x44: {  	_ =	shalt  }
0x45: {  	_ =	shalt  }
0x46: {  	_ =	shalt  }
0x47: {  	_ =	shalt  }
0x48: {  	_ =	shalt  }
0x49: {  	_ =	shalt  }
0x4a: {  	_ =	shalt  }
0x4b: {  	_ =	shalt  }
0x4c: {  	_ =	shalt  }
0x4d: {  	_ =	shalt  }
0x4e: {  	_ =	shalt  }
0x4f: {  	_ =	shalt  }
0x50: {  	_ =	shalt  }
0x51: {  	_ =	shalt  }
0x52: {  	_ =	shalt  }
0x53: {  	_ =	shalt  }
0x54: {  	_ =	shalt  }
0x55: {  	_ =	shalt  }
0x56: {  	_ =	shalt  }
0x57: {  	_ =	shalt  }
0x58: {  	_ =	shalt  }
0x59: {  	_ =	shalt  }
0x5a: {  	_ =	shalt  }
0x5b: {  	_ =	shalt  }
0x5c: {  	_ =	shalt  }
0x5d: {  	_ =	shalt  }
0x5e: {  	_ =	shalt  }
0x5f: {  	_ =	shalt  }
0x60: {  	_ =	shalt  }
0x61: {  	_ =	shalt  }
0x62: {  	_ =	shalt  }
0x63: {  	_ =	shalt  }
0x64: {  	_ =	shalt  }
0x65: {  	_ =	shalt  }
0x66: {  	_ =	shalt  }
0x67: {  	_ =	shalt  }
0x68: {  	_ =	shalt  }
0x69: {  	_ =	shalt  }
0x6a: {  	_ =	shalt  }
0x6b: {  	_ =	shalt  }
0x6c: {  	_ =	shalt  }
0x6d: {  	_ =	shalt  }
0x6e: {  	_ =	shalt  }
0x6f: {  	_ =	shalt  }
0x70: {  	_ =	shalt  }
0x71: {  	_ =	shalt  }
0x72: {  	_ =	shalt  }
0x73: {  	_ =	shalt  }
0x74: {  	_ =	shalt  }
0x75: {  	_ =	shalt  }
0x76: {  	_ =	shalt  }
0x77: {  	_ =	shalt  }
0x78: {  	_ =	shalt  }
0x79: {  	_ =	shalt  }
0x7a: {  	_ =	shalt  }
0x7b: {  	_ =	shalt  }
0x7c: {  	_ =	shalt  }
0x7d: {  	_ =	shalt  }
0x7e: {  	_ =	shalt  }
0x7f: {  	_ =	shalt  }
0x80: {  	_ =	shalt  }
0x81: {  	_ =	shalt  }
0x82: {  	_ =	shalt  }
0x83: {  	_ =	shalt  }
0x84: {  	_ =	shalt  }
0x85: {  	_ =	shalt  }
0x86: {  	_ =	shalt  }
0x87: {  	_ =	shalt  }
.Lfunc_end0:
.L_simem_size_0:
called_computation_lowered:
.L_overlay_start_0:
0x88: {  	s2 =	sld [smem:$0x3FD9]  }
0x89: {  	s3 =	sld [smem:$0x3FFE];
	_ =	sdelay $0x1  }
0x8a: {  	s1 =	srdreg.scid  }
0x8b: {  	s0 =	sand.u32 $0x1, s1  }
0x8c: {  	s14 =	sshll.u32 s0, $0xA;
	s2 =	sadd.s32 s3, s2  }
0x8d: {  	s2 =	sadd.s32 s2, s14  }
0x8e: {  	[smem:$0x3FC4] =	sst s2  }
0x8f: {  	_ = 	snop  }
0x90: {  	s2 =	sld [smem:$0x3FD0]  }
0x91: {  	s15 =	sld [smem:$0x3FC8]  }
0x92: {  	s4 =	sld [smem:$0x3FC7]  }
0x93: {  	s6 =	simm.s32 $0xA;
	s7 =	simm.s32 $0x10;
	s5 =	sld [smem:$0x3FC6]  }
0x94: {  	[smem:s7], [sflag:s6] =	dma.local [hbm:s2], $0x1  }
0x95: {  	_ =	swait.eq [sflag:s6], $0x1  }
0x96: {  	s16 =	sld [smem:$0x12];
	[sflag:s6] =	ssyncset.done $0x0  }
0x97: {  	s17 =	sld [smem:$0x13];
	[sflag:s6] =	ssyncadd.s32 $0xFFFFFFFF  }
0x98: {  	s18 =	sld [smem:$0x14];
	(tm) =	ssettm $0x1  }
0x99: {  	s8 =	sld [smem:$0x3FFB];
	_ =	sdelay $0x3  }
0x9a: {  	_ =	strace s8  }
0x9b: {  	s8 =	sld [smem:$0x3FFC];
	_ =	sdelay $0x3  }
0x9c: {  	_ =	strace s8  }
0x9d: {  	s8 =	sld [smem:$0x3FFD];
	_ =	sdelay $0x3  }
0x9e: {  	_ =	strace s8  }
0x9f: {  	_ =	strace $0x8FFFFFFF  }
0xa0: {  	s19 =	sld [smem:$0x3FDB];
	_ =	sdelay $0x1  }
0xa1: {  	s9 =	simm.s32 $_scs_section_size  }
0xa2: {  	s10 =	simm.s32 $_size__tile_overlayer_lowered;
	s11 =	simm.s32 $_tile_overlayer_lowered  }
0xa3: {  	s22 =	simm.s32 $0x1BFF;
	s21 =	sshll.u32 s11, $0x1;
	s8 =	sadd.s32 s9, s19  }
0xa4: {  	s12 =	simm.s32 $0x0;
	s20 =	sshll.u32 s10, $0x1;
	s10 =	sadd.s32 s21, s8  }
0xa5: {  	[timem:s12], [sflag:s22] =	dma.local [hbm:s10], s20  }
0xa6: {  	_ =	swait.ge [sflag:s22], s20  }
0xa7: {  	s9 =	ssub.s32 $0x0, s20;
	[sflag:s22] =	ssyncset.done $0x0  }
0xa8: {  	[sflag:s22] =	ssyncadd.s32 s9;
	_ =	sdelay $0x1  }
0xa9: {  	s23 =	simm.s32 $0x1B8B  }
0xaa: {  	_ =	swait.ge [sflag:s23], $0x1  }
0xab: {  	[sflag:s23] =	ssyncset.done $0x0  }
0xac: {  	s25 =	simm.s32 $0x1B8E;
	s24 =	sld [smem:$0x3FFE];
	[sflag:s23] =	ssyncadd.s32 $0xFFFFFFFF  }
0xad: {  	s26 =	simm.s32 $execute0_lowered;
	[smem:$0x3FD2] =	sst s25  }
0xae: {  	s10 =	sshll.u32 s26, $0x1;
	_ =	strace $0x80000046;
	[dreg:$0x1] =	wrdreg $0xFFFFFFFF  }
0xaf: {  	s28 =	simm.s32 $_size_execute0_lowered;
	s8 =	sadd.s32 s8, s10;
	[dreg:$0x0] =	wrdreg $0x0  }
0xb0: {  	s10 =	sshll.u32 s28, $0x1;
	[dreg:$0x2] =	wrdreg s8  }
0xb1: {  	[dreg:$0x3] =	wrdreg s10  }
0xb2: {  	[dreg:$0x4] =	wrdreg $0xC0  }
0xb3: {  	_ =	task [dreg:s12], $0x5FFFF  }
0xb4: {  	[dreg:$0x1] =	wrdreg $0xFFFFFFFF  }
0xb5: {  	[dreg:$0x0] =	wrdreg $0x60  }
0xb6: {  	[dreg:$0x2] =	wrdreg s24  }
0xb7: {  	[dreg:$0x3] =	wrdreg s4  }
0xb8: {  	[dreg:$0x4] =	wrdreg s5  }
0xb9: {  	[dreg:$0x5] =	wrdreg s15  }
0xba: {  	[dreg:$0x6] =	wrdreg s16  }
0xbb: {  	[dreg:$0x7] =	wrdreg s17  }
0xbc: {  	[dreg:$0x8] =	wrdreg s18  }
0xbd: {  	[dreg:$0x9] =	wrdreg $0x9  }
0xbe: {  	_ =	task.clear_ibuf [dreg:s12], $0xAFFFF;
	_ =	strace $0x90000046  }
0xbf: {  	s29 =	simm.s32 $0x9;
	_ =	strace $0x80000048  }
0xc0: {  	_ =	swait.ge [sflag:s29], $0x1  }
0xc1: {  	[sflag:s29] =	ssyncadd.s32 $0xFFFFFFFF  }
0xc2: {  	_ =	strace $0x90000048  }
0xc3: {  	_ =	sfence  }
0xc4: {  	s30 =	sld [smem:$0x0];
	_ =	sdelay $0x2  }
0xc5: {  	s31 =	sshll.u32 s1, $0xD;
	s1 =	sshrl.u32 s1, $0x2  }
0xc6: {  	s3 =	sand.u32 $0x4000, s31;
	s1 =	sadd.s32 s1, s30  }
0xc7: {  	s0 =	sor.u32 s3, s0;
	s1 =	sshll.u32 s1, $0x11  }
0xc8: {  	s0 =	sor.u32 s1, s0  }
0xc9: {  	s0 =	sadd.s32 $0x8F2B, s0  }
0xca: {  	[sflag:s0] =	ssyncadd.remote.s32 $0x1  }
0xcb: {  	_ =	sfence.sel $0xFFFF  }
0xcc: {  	[dreg:$0x0] =	wrdreg $0xFFFFFFFF;
	(pc) =	sbr.abs _section_cstart, $3  }
0xcd: {  	[dreg:$0x1] =	wrdreg $0xFFFFFFFF  }
0xce: {  	_ =	task.clear_ibuf [dreg:s12], $0x2FFFF;
	_ =	strace $0x9FFFFFFF  }
0xcf: {  	(tm) =	ssettm $0x7FFFFFFF  }
tec
execute0_lowered:
.L_overlay_start_1:
0x0: {  	(tag) =	ssettag $0x1  }
0x1: {  	s2 =	rddreg [dreg:$0x0]  }
0x2: {  	s0 =	rddreg [dreg:$0x1]  }
0x3: {  	s1 =	rddreg [dreg:$0x2];
	s3 =	srdreg.scid  }
0x4: {  	s5 =	stileid.u32;
	s4 =	rddreg [dreg:$0x6];
	s22 =	simm.s32 $0x0  }
0x5: {  	s19 =	simm.s32 $0x3;
	s20 =	simm.s32 $0x200;
	s21 =	simm.s32 $0x400;
	v0 =	vimm.s32 $0xFEDCBA98  }
0x6: {  	v1 =	vimm.s32 $0x76543210;
	s31 =	simm.s32 $0xE400;
	s8 =	simm.s32 $0xFC00;
	s9 =	simm.s32 $0x10400  }
0x7: {  	v3 =	vimm.s32 $0x3210FEDC;
	v4 =	vimm.s32 $0xBA987654;
	s17 =	simm.s32 $0x1;
	s18 =	simm.s32 $0x2;
	s7 =	simm.s32 $0x11400;
	v2 =	vunpack.c.l.s4.s8 v0  }
0x8: {  	v5 =	vimm.s32 $0x10FEDCBA;
	v6 =	vimm.s32 $0x98765432;
	s3 =	sand.u32 $0x1, s3;
	s5 =	sshll.u32 s5, $0x1;
	[smem:$0x7FF] =	sst s22;
	v1 =	vunpack.c.l.s4.s8 v1  }
0x9: {  	v7 =	vimm.s32 $0x87654321;
	vm0 =	vmmov $0xffff;
	s10 =	sadd.s32 $0x100, s0;
	s11 =	sadd.s32 $0x200, s0;
	s12 =	sadd.s32 $0x300, s0;
	v2 =	vunpack.c.0.s8.s32 v2  }
0xa: {  	s13 =	sadd.s32 $0x100, s1;
	s14 =	sadd.s32 $0x200, s1;
	v3 =	vunpack.c.l.s4.s8 v3;
	v4 =	vunpack.c.l.s4.s8 v4;
	s5 =	sor.u32 s3, s5;
	v1 =	vunpack.c.0.s8.s32 v1  }
0xb: {  	s15 =	sadd.s32 $0x300, s1;
	v5 =	vunpack.c.l.s4.s8 v5;
	v6 =	vunpack.c.l.s4.s8 v6;
	s3 =	ssub.s32 $0x2, s3;
	s6 =	sshll.u32 s5, $0x6;
	v2 =	vand.u32 $0xF, v2  }
0xc: {  	_ =	strace $0x80000047;
	s26 =	sshrl.u32 s3, $0x1;
	s2 =	sadd.s32 s6, s2;
	v1 =	vcombine.low v2, v1;
	v2 =	vunpack.c.0.s8.s32 v3;
	v3 =	vimm.s32 $0xFEDCBA9  }
0xd: {  	v0 =	vlaneseq.u32;
	v7 =	vunpack.c.l.s4.s8 v7;
	s29 =	sshll.u32 s5, $0x3;
	s16 =	sshll.u32 s5, $0xD;
	s28 =	sadd.s32 $0x1600, s2;
	v3 =	vunpack.c.l.s4.s8 v3  }
0xe: {  	v4 =	vunpack.c.0.s8.s32 v4;
	v5 =	vunpack.c.0.s8.s32 v5;
	v6 =	vunpack.c.0.s8.s32 v6;
	s3 =	ssub.s32 s3, s26;
	s2 =	sadd.s32 $0xE00, s2;
	[dreg:$0x8] =	wrdreg s28  }
0xf: {  	v8 =	vshrl.u32 v0, $0x3;
	s5 =	simm.s32 $0xEC00;
	v7 =	vunpack.c.0.s8.s32 v7;
	s30 =	smax.u32 s3, $0x1;
	[dreg:$0x9] =	wrdreg s2;
	v9 =	vunpack.c.0.s8.s32 v3  }
0x10: {  	s6 =	simm.s32 $0x0;
	v5 =	vcombine.low v6, v5;
	v6 =	vor.u32 $0x8, v0;
	s2 =	sadd.s32 s4, s29;
	[dreg:$0xb] =	wrdreg s30;
	v2 =	vcombine.low v4, v2  }
0x11: {  	s3 =	simm.s32 $0x12400;
	[dreg:$0xa] =	wrdreg s2;
	s2 =	simm.s32 $0xF400;
	v4 =	vmul.u32 $0x8, v8;
	v3 =	vand.u32 $0x7, v0;
	v7 =	vcombine.low v7, v9  }
.LBB2_1:
0x12: {  	[dreg:$0xc] =	wrdreg s6  }
0x13: {  	s4 =	rddreg [dreg:$0x8]  }
0x14: {  	[tilespmem:s22], [sflag:$0x3] =	stream.linear.gather [hbm4b:s4+s22], $0x200, $0x38;
	[tilespmem:$0x13480] =	vst v63  }
0x15: {  	_ =	swait.ge [sflag:s19], $0x200  }
0x16: {  	[sflag:s19] =	ssyncset.done $0x0  }
0x17: {  	s30 =	rddreg [dreg:$0x9];
	[sflag:s19] =	ssyncadd.s32 $0xFFFFFE00  }
0x18: {  	[tilespmem:s20], [sflag:$0x3] =	stream.linear.gather [hbm4b:s30+s22], $0x200, $0x38;
	[tilespmem:$0x13480] =	vst v63  }
0x19: {  	_ =	swait.ge [sflag:s19], $0x200  }
0x1a: {  	[sflag:s19] =	ssyncset.done $0x0  }
0x1b: {  	v8 =	vimm.f32 $0.0e+00;
	s4 =	simm.s32 $0x0;
	[sflag:s19] =	ssyncadd.s32 $0xFFFFFE00  }
.LBB2_2:
0x1c: {  	s22 =	sshll.u32 s4, $0x5  }
0x1d: {  	v9 =	vld [tilespmem:s22+$0x0];
	_ =	sdelay $0x4  }
0x1e: {  	v10 =	vshll.u32 v9, $0x3  }
0x1f: {  	v9 =	vand.u32 $0x7, v9;
	v10 =	vand.u32 $0xFFFFFFC0, v10  }
0x20: {  	v9 =	vor.u32 v9, v10  }
0x21: {  	v10 =	vperm.xlane v9, v3;
	_ =	sdelay $0x1  }
0x22: {  	v10 =	vadd.s32 v4, v10;
	_ =	sdelay $0x3  }
0x23: {  	s23 =	simm.s32 $0x0  }
0x24: {  	[tilespmem:s21], [sflag:$0x1] =	stream.indirect_vreg.gather [hbm4b:s0+s23], $0x80, v10, vm0, $0xb8;
	[tilespmem:$0x13480] =	vst v63  }
0x25: {  	s6 =	simm.s32 $0xC00;
	v9 =	vperm.xlane v9, v6  }
0x26: {  	[tilespmem:s6], [sflag:$0x1] =	stream.indirect_vreg.gather [hbm4b:s10+s23], $0x80, v10, vm0, $0xb8;
	[tilespmem:$0x13480] =	vst v63  }
0x27: {  	s30 =	simm.s32 $0x1400;
	v9 =	vadd.s32 v4, v9  }
0x28: {  	[tilespmem:s30], [sflag:$0x1] =	stream.indirect_vreg.gather [hbm4b:s11+s23], $0x80, v10, vm0, $0xb8;
	[tilespmem:$0x13480] =	vst v63  }
0x29: {  	s24 =	simm.s32 $0x1C00  }
0x2a: {  	[tilespmem:s24], [sflag:$0x1] =	stream.indirect_vreg.gather [hbm4b:s12+s23], $0x80, v10, vm0, $0xb8;
	[tilespmem:$0x13480] =	vst v63  }
0x2b: {  	s25 =	simm.s32 $0x2400  }
0x2c: {  	[tilespmem:s25], [sflag:$0x1] =	stream.indirect_vreg.gather [hbm4b:s0+s23], $0x80, v9, vm0, $0xb8;
	[tilespmem:$0x13480] =	vst v63  }
0x2d: {  	s26 =	simm.s32 $0x2C00  }
0x2e: {  	[tilespmem:s26], [sflag:$0x1] =	stream.indirect_vreg.gather [hbm4b:s10+s23], $0x80, v9, vm0, $0xb8;
	[tilespmem:$0x13480] =	vst v63  }
0x2f: {  	s30 =	simm.s32 $0x3400  }
0x30: {  	[tilespmem:s30], [sflag:$0x1] =	stream.indirect_vreg.gather [hbm4b:s11+s23], $0x80, v9, vm0, $0xb8;
	[tilespmem:$0x13480] =	vst v63  }
0x31: {  	s24 =	simm.s32 $0x3C00  }
0x32: {  	[tilespmem:s24], [sflag:$0x1] =	stream.indirect_vreg.gather [hbm4b:s12+s23], $0x80, v9, vm0, $0xb8;
	[tilespmem:$0x13480] =	vst v63  }
0x33: {  	v9 =	vld [tilespmem:s22+$0x10];
	_ =	sdelay $0x4  }
0x34: {  	v10 =	vshll.u32 v9, $0x3  }
0x35: {  	v9 =	vand.u32 $0x7, v9;
	v10 =	vand.u32 $0xFFFFFFC0, v10  }
0x36: {  	v9 =	vor.u32 v9, v10  }
0x37: {  	v10 =	vperm.xlane v9, v3;
	_ =	sdelay $0x1  }
0x38: {  	v10 =	vadd.s32 v4, v10;
	_ =	sdelay $0x3  }
0x39: {  	s25 =	simm.s32 $0x4400  }
0x3a: {  	[tilespmem:s25], [sflag:$0x1] =	stream.indirect_vreg.gather [hbm4b:s0+s23], $0x80, v10, vm0, $0xb8;
	[tilespmem:$0x13480] =	vst v63  }
0x3b: {  	s26 =	simm.s32 $0x4C00;
	v9 =	vperm.xlane v9, v6  }
0x3c: {  	[tilespmem:s26], [sflag:$0x1] =	stream.indirect_vreg.gather [hbm4b:s10+s23], $0x80, v10, vm0, $0xb8;
	[tilespmem:$0x13480] =	vst v63  }
0x3d: {  	s30 =	simm.s32 $0x5400;
	v9 =	vadd.s32 v4, v9  }
0x3e: {  	[tilespmem:s30], [sflag:$0x1] =	stream.indirect_vreg.gather [hbm4b:s11+s23], $0x80, v10, vm0, $0xb8;
	[tilespmem:$0x13480] =	vst v63  }
0x3f: {  	s24 =	simm.s32 $0x5C00  }
0x40: {  	[tilespmem:s24], [sflag:$0x1] =	stream.indirect_vreg.gather [hbm4b:s12+s23], $0x80, v10, vm0, $0xb8;
	[tilespmem:$0x13480] =	vst v63  }
0x41: {  	s25 =	simm.s32 $0x6400  }
0x42: {  	[tilespmem:s25], [sflag:$0x1] =	stream.indirect_vreg.gather [hbm4b:s0+s23], $0x80, v9, vm0, $0xb8;
	[tilespmem:$0x13480] =	vst v63  }
0x43: {  	s26 =	simm.s32 $0x6C00  }
0x44: {  	[tilespmem:s26], [sflag:$0x1] =	stream.indirect_vreg.gather [hbm4b:s10+s23], $0x80, v9, vm0, $0xb8;
	[tilespmem:$0x13480] =	vst v63  }
0x45: {  	s30 =	simm.s32 $0x7400  }
0x46: {  	[tilespmem:s30], [sflag:$0x1] =	stream.indirect_vreg.gather [hbm4b:s11+s23], $0x80, v9, vm0, $0xb8;
	[tilespmem:$0x13480] =	vst v63  }
0x47: {  	s24 =	simm.s32 $0x7C00  }
0x48: {  	[tilespmem:s24], [sflag:$0x1] =	stream.indirect_vreg.gather [hbm4b:s12+s23], $0x80, v9, vm0, $0xb8;
	[tilespmem:$0x13480] =	vst v63  }
0x49: {  	v9 =	vld [tilespmem:s22+$0x0];
	_ =	sdelay $0x4  }
0x4a: {  	v10 =	vshll.u32 v9, $0x3  }
0x4b: {  	v9 =	vand.u32 $0x7, v9;
	v10 =	vand.u32 $0xFFFFFFC0, v10  }
0x4c: {  	v9 =	vor.u32 v9, v10  }
0x4d: {  	v10 =	vperm.xlane v9, v3;
	_ =	sdelay $0x1  }
0x4e: {  	v10 =	vadd.s32 v4, v10;
	_ =	sdelay $0x3  }
0x4f: {  	s25 =	simm.s32 $0x8400  }
0x50: {  	[tilespmem:s25], [sflag:$0x2] =	stream.indirect_vreg.gather [hbm4b:s1+s23], $0x80, v10, vm0, $0xb8;
	[tilespmem:$0x13480] =	vst v63  }
0x51: {  	s26 =	simm.s32 $0x8C00;
	v9 =	vperm.xlane v9, v6  }
0x52: {  	[tilespmem:s26], [sflag:$0x2] =	stream.indirect_vreg.gather [hbm4b:s13+s23], $0x80, v10, vm0, $0xb8;
	[tilespmem:$0x13480] =	vst v63  }
0x53: {  	s30 =	simm.s32 $0x9400;
	v9 =	vadd.s32 v4, v9  }
0x54: {  	[tilespmem:s30], [sflag:$0x2] =	stream.indirect_vreg.gather [hbm4b:s14+s23], $0x80, v10, vm0, $0xb8;
	[tilespmem:$0x13480] =	vst v63  }
0x55: {  	s24 =	simm.s32 $0x9C00  }
0x56: {  	[tilespmem:s24], [sflag:$0x2] =	stream.indirect_vreg.gather [hbm4b:s15+s23], $0x80, v10, vm0, $0xb8;
	[tilespmem:$0x13480] =	vst v63  }
0x57: {  	s25 =	simm.s32 $0xA400  }
0x58: {  	[tilespmem:s25], [sflag:$0x2] =	stream.indirect_vreg.gather [hbm4b:s1+s23], $0x80, v9, vm0, $0xb8;
	[tilespmem:$0x13480] =	vst v63  }
0x59: {  	s26 =	simm.s32 $0xAC00  }
0x5a: {  	[tilespmem:s26], [sflag:$0x2] =	stream.indirect_vreg.gather [hbm4b:s13+s23], $0x80, v9, vm0, $0xb8;
	[tilespmem:$0x13480] =	vst v63  }
0x5b: {  	s30 =	simm.s32 $0xB400  }
0x5c: {  	[tilespmem:s30], [sflag:$0x2] =	stream.indirect_vreg.gather [hbm4b:s14+s23], $0x80, v9, vm0, $0xb8;
	[tilespmem:$0x13480] =	vst v63  }
0x5d: {  	s24 =	simm.s32 $0xBC00  }
0x5e: {  	[tilespmem:s24], [sflag:$0x2] =	stream.indirect_vreg.gather [hbm4b:s15+s23], $0x80, v9, vm0, $0xb8;
	[tilespmem:$0x13480] =	vst v63  }
0x5f: {  	v9 =	vld [tilespmem:s22+$0x10];
	_ =	sdelay $0x4  }
0x60: {  	v10 =	vshll.u32 v9, $0x3  }
0x61: {  	v9 =	vand.u32 $0x7, v9;
	v10 =	vand.u32 $0xFFFFFFC0, v10  }
0x62: {  	v9 =	vor.u32 v9, v10  }
0x63: {  	v10 =	vperm.xlane v9, v3;
	_ =	sdelay $0x1  }
0x64: {  	v10 =	vadd.s32 v4, v10;
	_ =	sdelay $0x3  }
0x65: {  	s25 =	simm.s32 $0xC400  }
0x66: {  	[tilespmem:s25], [sflag:$0x2] =	stream.indirect_vreg.gather [hbm4b:s1+s23], $0x80, v10, vm0, $0xb8;
	[tilespmem:$0x13480] =	vst v63  }
0x67: {  	s26 =	simm.s32 $0xCC00;
	v9 =	vperm.xlane v9, v6  }
0x68: {  	[tilespmem:s26], [sflag:$0x2] =	stream.indirect_vreg.gather [hbm4b:s13+s23], $0x80, v10, vm0, $0xb8;
	[tilespmem:$0x13480] =	vst v63  }
0x69: {  	s30 =	simm.s32 $0xD400;
	v9 =	vadd.s32 v4, v9  }
0x6a: {  	[tilespmem:s30], [sflag:$0x2] =	stream.indirect_vreg.gather [hbm4b:s14+s23], $0x80, v10, vm0, $0xb8;
	[tilespmem:$0x13480] =	vst v63  }
0x6b: {  	s24 =	simm.s32 $0xDC00  }
0x6c: {  	[tilespmem:s24], [sflag:$0x2] =	stream.indirect_vreg.gather [hbm4b:s15+s23], $0x80, v10, vm0, $0xb8;
	[tilespmem:$0x13480] =	vst v63  }
0x6d: {  	s25 =	sshll.u32 s4, $0x9  }
0x6e: {  	[tilespmem:s31], [sflag:$0x2] =	stream.indirect_vreg.gather [hbm4b:s1+s23], $0x80, v9, vm0, $0xb8;
	[tilespmem:$0x13480] =	vst v63  }
0x6f: {  	s6 =	sand.u32 $0x1C00, s25;
	s24 =	sshll.u32 s4, $0x6  }
0x70: {  	[tilespmem:s5], [sflag:$0x2] =	stream.indirect_vreg.gather [hbm4b:s13+s23], $0x80, v9, vm0, $0xb8;
	[tilespmem:$0x13480] =	vst v63  }
0x71: {  	s6 =	sor.u32 s16, s6;
	s24 =	sand.u32 $0x40, s24  }
0x72: {  	[tilespmem:s2], [sflag:$0x2] =	stream.indirect_vreg.gather [hbm4b:s14+s23], $0x80, v9, vm0, $0xb8;
	[tilespmem:$0x13480] =	vst v63  }
0x73: {  	s26 =	rddreg [dreg:$0x3];
	s6 =	sor.u32 s24, s6  }
0x74: {  	[tilespmem:s8], [sflag:$0x2] =	stream.indirect_vreg.gather [hbm4b:s15+s23], $0x80, v9, vm0, $0xb8;
	[tilespmem:$0x13480] =	vst v63  }
0x75: {  	s24 =	sadd.s32 s26, s6  }
0x76: {  	[tilespmem:s9], [sflag:$0x3] =	stream.strided.gather [hbm4b:s24+s20], $0x1000, s21, s20, $0x38;
	[tilespmem:$0x13480] =	vst v63  }
0x77: {  	_ =	swait.ge [sflag:s19], $0x1000  }
0x78: {  	[sflag:s19] =	ssyncset.done $0x0  }
0x79: {  	[sflag:s19] =	ssyncadd.s32 $0xFFFFF000  }
0x7a: {  	_ =	swait.ge [sflag:s17], $0x8000  }
0x7b: {  	[sflag:s17] =	ssyncset.done $0x0  }
0x7c: {  	[sflag:s17] =	ssyncadd.s32 $0xFFFF8000  }
0x7d: {  	_ =	swait.ge [sflag:s18], $0x8000  }
0x7e: {  	[sflag:s18] =	ssyncset.done $0x0  }
0x7f: {  	[sflag:s18] =	ssyncadd.s32 $0xFFFF8000  }
0x80: {  	s25 =	simm.s32 $0x0;
	s30 =	sand.u32 $0x70, s23;
	v9 =	vld [tilespmem:s22+$0x200]  }
0x81: {  	s26 =	sor.u32 s30, s25  }
0x82: {  	v10 =	vld [tilespmem:s26+$0x8400]  }
0x83: {  	v12 =	vld [tilespmem:s26+$0x400]  }
0x84: {  	v13 =	vld [tilespmem:s26+$0x8480]  }
0x85: {  	v15 =	vld [tilespmem:s26+$0x480];
	v14 =	vbroadcast v9, $0x0  }
0x86: {  	v16 =	vld [tilespmem:s26+$0x8500]  }
0x87: {  	v18 =	vld [tilespmem:s26+$0x500];
	v11 =	vbroadcast v9, $0x1;
	v17 =	vmul.f32 v10, v14  }
0x88: {  	v19 =	vld [tilespmem:s26+$0x8580];
	v12 =	vmul.f32 v12, v14  }
0x89: {  	v20 =	vld [tilespmem:s26+$0x580];
	v10 =	vbroadcast v9, $0x2;
	v13 =	vmul.f32 v13, v11;
	v17 =	vadd.f32 $0.0e+00, v17  }
0x8a: {  	v22 =	vld [tilespmem:s26+$0x8600];
	v15 =	vmul.f32 v15, v11;
	v21 =	vadd.f32 $0.0e+00, v12  }
0x8b: {  	v23 =	vld [tilespmem:s26+$0x600];
	v12 =	vbroadcast v9, $0x3;
	v16 =	vmul.f32 v16, v10;
	v17 =	vadd.f32 v13, v17  }
0x8c: {  	v18 =	vmul.f32 v18, v10;
	v15 =	vadd.f32 v15, v21;
	v21 =	vld [tilespmem:s26+$0x8680]  }
0x8d: {  	v13 =	vbroadcast v9, $0x4;
	v16 =	vadd.f32 v16, v17;
	v17 =	vmul.f32 v19, v12;
	v19 =	vld [tilespmem:s26+$0x680]  }
0x8e: {  	s23 =	sor.u32 s25, s23;
	v24 =	vld [tilespmem:s26+$0x8700];
	v20 =	vmul.f32 v20, v12;
	v18 =	vadd.f32 v18, v15  }
0x8f: {  	s23 =	sor.u32 $0x380, s23;
	v25 =	vld [tilespmem:s26+$0x700];
	v15 =	vbroadcast v9, $0x5;
	v22 =	vmul.f32 v22, v13;
	v17 =	vadd.f32 v17, v16  }
0x90: {  	v18 =	vadd.f32 v20, v18;
	v20 =	vmul.f32 v23, v13;
	v23 =	vld [tilespmem:s23+$0x8400]  }
0x91: {  	v26 =	vld [tilespmem:s23+$0x400];
	v16 =	vbroadcast v9, $0x6;
	v21 =	vmul.f32 v21, v15;
	v22 =	vadd.f32 v22, v17  }
0x92: {  	s26 =	simm.s32 $0x0;
	v18 =	vadd.f32 v20, v18;
	v19 =	vmul.f32 v19, v15  }
0x93: {  	s24 =	sor.u32 s30, s26;
	v17 =	vbroadcast v9, $0x7;
	v20 =	vadd.f32 v21, v22;
	v21 =	vmul.f32 v24, v16  }
0x94: {  	v22 =	vld [tilespmem:s24+$0x10400];
	v18 =	vadd.f32 v19, v18;
	v19 =	vmul.f32 v25, v16  }
0x95: {  	v20 =	vadd.f32 v21, v20;
	v21 =	vmul.f32 v23, v17  }
0x96: {  	v18 =	vadd.f32 v19, v18;
	v19 =	vmul.f32 v26, v17  }
0x97: {  	v20 =	vadd.f32 v21, v20  }
0x98: {  	s25 =	simm.s32 $0x10;
	v18 =	vadd.f32 v19, v18  }
0x99: {  	s30 =	simm.s32 $0x0;
	s23 =	sand.u32 $0x70, s25;
	[tilespmem:s24+$0x12400] =	vst v20;
	v19 =	vsub.f32 v20, v22  }
0x9a: {  	s29 =	sor.u32 s23, s30;
	[tilespmem:s24+$0x11400] =	vst v18  }
0x9b: {  	s28 =	sor.u32 s30, s25;
	v20 =	vld [tilespmem:s29+$0x8400];
	v19 =	vmul.f32 v19, v19  }
0x9c: {  	s26 =	simm.s32 $0x2;
	s28 =	sor.u32 $0x380, s28;
	s24 =	simm.s32 $0x0;
	v18 =	vimm.f32 $0.0e+00;
	v21 =	vld [tilespmem:s29+$0x400]  }
.LBB2_3:
0x9d: {  	p0 =	sne.s32 s26, $0x3F;
	v22 =	vld [tilespmem:s29+$0x8480];
	v18 =	vadd.f32 v19, v18;
	s30 =	smov.u32 s26;
	s26 =	sadd.s32 $0x1, s26  }
0x9e: {  	v19 =	vld [tilespmem:s29+$0x480]  }
0x9f: {  	v23 =	vld [tilespmem:s29+$0x8500]  }
0xa0: {  	v20 =	vmul.f32 v20, v14;
	v24 =	vld [tilespmem:s29+$0x500]  }
0xa1: {  	v21 =	vmul.f32 v21, v14;
	v25 =	vld [tilespmem:s29+$0x8580]  }
0xa2: {  	v20 =	vadd.f32 $0.0e+00, v20;
	v22 =	vmul.f32 v22, v11;
	v26 =	vld [tilespmem:s29+$0x580]  }
0xa3: {  	v21 =	vadd.f32 $0.0e+00, v21;
	v19 =	vmul.f32 v19, v11;
	v27 =	vld [tilespmem:s29+$0x8600]  }
0xa4: {  	v20 =	vadd.f32 v22, v20;
	v22 =	vmul.f32 v23, v10;
	v23 =	vld [tilespmem:s29+$0x600]  }
0xa5: {  	v19 =	vadd.f32 v19, v21;
	v21 =	vmul.f32 v24, v10;
	v24 =	vld [tilespmem:s29+$0x8680]  }
0xa6: {  	v20 =	vadd.f32 v22, v20;
	v22 =	vmul.f32 v25, v12;
	v25 =	vld [tilespmem:s29+$0x680]  }
0xa7: {  	v19 =	vadd.f32 v21, v19;
	v21 =	vmul.f32 v26, v12;
	v26 =	vld [tilespmem:s29+$0x8700]  }
0xa8: {  	v20 =	vadd.f32 v22, v20;
	v22 =	vmul.f32 v27, v13;
	v27 =	vld [tilespmem:s29+$0x700]  }
0xa9: {  	v19 =	vadd.f32 v21, v19;
	v21 =	vmul.f32 v23, v13;
	v23 =	vld [tilespmem:s28+$0x8400]  }
0xaa: {  	v20 =	vadd.f32 v22, v20;
	v22 =	vmul.f32 v24, v15;
	v24 =	vld [tilespmem:s28+$0x400]  }
0xab: {  	v19 =	vadd.f32 v21, v19;
	v21 =	vmul.f32 v25, v15  }
0xac: {  	s28 =	sor.u32 s23, s24;
	v20 =	vadd.f32 v22, v20;
	v22 =	vmul.f32 v26, v16  }
0xad: {  	v19 =	vadd.f32 v21, v19;
	v21 =	vmul.f32 v27, v16;
	v25 =	vld [tilespmem:s28+$0x10400]  }
0xae: {  	v20 =	vadd.f32 v22, v20;
	v22 =	vmul.f32 v23, v17  }
0xaf: {  	v19 =	vadd.f32 v21, v19;
	v21 =	vmul.f32 v24, v17  }
0xb0: {  	v20 =	vadd.f32 v22, v20  }
.Ltmp0:
0xb1: {  	s25 =	sadd.s32 $0x10, s25;
	s24 =	sshrl.u32 s30, $0x3;
	v19 =	vadd.f32 v21, v19;
	(pc) =	sbr.rel @p0 .LBB2_3-.Ltmp0, $4  }
0xb2: {  	s23 =	sand.u32 $0x70, s25;
	s30 =	sshll.u32 s24, $0xA;
	s24 =	sshll.u32 s24, $0x9;
	[tilespmem:s28+$0x12400] =	vst v20;
	v21 =	vsub.f32 v20, v25  }
0xb3: {  	s29 =	sor.u32 s23, s30;
	s30 =	sor.u32 s30, s25;
	[tilespmem:s28+$0x11400] =	vst v19  }
0xb4: {  	s28 =	sor.u32 $0x380, s30;
	v20 =	vld [tilespmem:s29+$0x8400];
	v19 =	vmul.f32 v21, v21  }
0xb5: {  	v21 =	vld [tilespmem:s29+$0x400]  }
0xb6: {  	v22 =	vld [tilespmem:s29+$0x8480]  }
0xb7: {  	v23 =	vld [tilespmem:s29+$0x480]  }
0xb8: {  	v24 =	vld [tilespmem:s29+$0x8500]  }
0xb9: {  	v25 =	vld [tilespmem:s29+$0x500];
	v20 =	vmul.f32 v20, v14  }
0xba: {  	v14 =	vmul.f32 v21, v14;
	v21 =	vld [tilespmem:s29+$0x8580]  }
0xbb: {  	v26 =	vld [tilespmem:s29+$0x580];
	v20 =	vadd.f32 $0.0e+00, v20;
	v22 =	vmul.f32 v22, v11  }
0xbc: {  	v11 =	vmul.f32 v23, v11;
	v23 =	vld [tilespmem:s29+$0x8600];
	v14 =	vadd.f32 $0.0e+00, v14  }
0xbd: {  	v59 =	vld [tilespmem:s29+$0x600];
	v20 =	vadd.f32 v22, v20;
	v22 =	vmul.f32 v24, v10  }
0xbe: {  	v10 =	vmul.f32 v25, v10;
	v11 =	vadd.f32 v11, v14;
	v14 =	vld [tilespmem:s29+$0x8680]  }
0xbf: {  	v20 =	vadd.f32 v22, v20;
	v21 =	vmul.f32 v21, v12;
	v22 =	vld [tilespmem:s29+$0x680]  }
0xc0: {  	v10 =	vadd.f32 v10, v11;
	v11 =	vmul.f32 v26, v12;
	v12 =	vld [tilespmem:s29+$0x8700]  }
0xc1: {  	v20 =	vadd.f32 v21, v20;
	v21 =	vmul.f32 v23, v13;
	v23 =	vld [tilespmem:s29+$0x700]  }
0xc2: {  	v10 =	vadd.f32 v11, v10;
	v11 =	vmul.f32 v59, v13;
	v13 =	vld [tilespmem:s28+$0x8400]  }
0xc3: {  	v20 =	vadd.f32 v21, v20;
	v14 =	vmul.f32 v14, v15;
	v21 =	vld [tilespmem:s28+$0x400]  }
0xc4: {  	v10 =	vadd.f32 v11, v10;
	v11 =	vmul.f32 v22, v15  }
0xc5: {  	v14 =	vadd.f32 v14, v20;
	v12 =	vmul.f32 v12, v16  }
0xc6: {  	v10 =	vadd.f32 v11, v10;
	v11 =	vmul.f32 v23, v16  }
0xc7: {  	v12 =	vadd.f32 v12, v14;
	v13 =	vmul.f32 v13, v17  }
0xc8: {  	v10 =	vadd.f32 v11, v10;
	v11 =	vmul.f32 v21, v17  }
0xc9: {  	v13 =	vadd.f32 v13, v12  }
0xca: {  	s24 =	sor.u32 s23, s24;
	s25 =	simm.s32 $0x0;
	v10 =	vadd.f32 v11, v10  }
0xcb: {  	s26 =	simm.s32 $0x0;
	s23 =	sand.u32 $0x70, s25;
	[tilespmem:s24+$0x12400] =	vst v13  }
0xcc: {  	s30 =	sor.u32 s23, s26;
	v15 =	vld [tilespmem:s24+$0x10400];
	[tilespmem:s24+$0x11400] =	vst v10  }
0xcd: {  	v10 =	vld [tilespmem:s30+$0xA400]  }
0xce: {  	v12 =	vld [tilespmem:s30+$0x2400]  }
0xcf: {  	v16 =	vld [tilespmem:s30+$0xA480]  }
0xd0: {  	v14 =	vbroadcast v9, $0x8;
	v17 =	vld [tilespmem:s30+$0x2480]  }
0xd1: {  	v20 =	vld [tilespmem:s30+$0xA500]  }
0xd2: {  	v11 =	vbroadcast v9, $0x9;
	v21 =	vld [tilespmem:s30+$0x2500];
	v10 =	vmul.f32 v10, v14  }
0xd3: {  	v18 =	vadd.f32 v19, v18;
	v22 =	vld [tilespmem:s30+$0xA580];
	v19 =	vmul.f32 v12, v14  }
0xd4: {  	v23 =	vld [tilespmem:s30+$0x2580];
	v12 =	vbroadcast v9, $0xA;
	v16 =	vmul.f32 v16, v11;
	v10 =	vadd.f32 $0.0e+00, v10  }
0xd5: {  	v15 =	vsub.f32 v13, v15;
	v60 =	vld [tilespmem:s30+$0xA600];
	v17 =	vmul.f32 v17, v11;
	v19 =	vadd.f32 $0.0e+00, v19  }
0xd6: {  	v13 =	vbroadcast v9, $0xB;
	v10 =	vadd.f32 v16, v10;
	v16 =	vmul.f32 v20, v12;
	v20 =	vld [tilespmem:s30+$0x2600]  }
0xd7: {  	v61 =	vmul.f32 v15, v15;
	v17 =	vadd.f32 v17, v19;
	v19 =	vmul.f32 v21, v12;
	v21 =	vld [tilespmem:s30+$0xA680]  }
0xd8: {  	v15 =	vbroadcast v9, $0xC;
	v62 =	vld [tilespmem:s30+$0x2680];
	v22 =	vmul.f32 v22, v13;
	v10 =	vadd.f32 v16, v10  }
0xd9: {  	s25 =	sor.u32 s26, s25;
	v18 =	vadd.f32 v61, v18;
	v17 =	vadd.f32 v19, v17;
	v19 =	vmul.f32 v23, v13;
	v23 =	vld [tilespmem:s30+$0xA700]  }
0xda: {  	s25 =	sor.u32 $0x2380, s25;
	v63 =	vld [tilespmem:s30+$0x2700];
	v16 =	vbroadcast v9, $0xD;
	v10 =	vadd.f32 v22, v10;
	v22 =	vmul.f32 v60, v15  }
0xdb: {  	v27 =	vld [tilespmem:s25+$0x8400];
	v25 =	vperm.xlane v18, v1;
	v19 =	vadd.f32 v19, v17;
	v20 =	vmul.f32 v20, v15  }
0xdc: {  	v17 =	vbroadcast v9, $0xE;
	v21 =	vmul.f32 v21, v16;
	v10 =	vadd.f32 v22, v10;
	v22 =	vld [tilespmem:s25+$0x400]  }
0xdd: {  	s26 =	simm.s32 $0x0;
	v25 =	vadd.f32 v25, v18;
	v19 =	vadd.f32 v20, v19;
	v20 =	vmul.f32 v62, v16  }
0xde: {  	s24 =	sor.u32 s23, s26;
	v18 =	vbroadcast v9, $0xF;
	v9 =	vadd.f32 v21, v10;
	v10 =	vmul.f32 v23, v17  }
0xdf: {  	v21 =	vperm.xlane v25, v2;
	v23 =	vld [tilespmem:s24+$0x10480];
	v19 =	vadd.f32 v20, v19;
	v20 =	vmul.f32 v63, v17  }
0xe0: {  	v9 =	vadd.f32 v10, v9;
	v10 =	vmul.f32 v27, v18  }
0xe1: {  	v21 =	vadd.f32 v21, v25;
	v19 =	vadd.f32 v20, v19;
	v20 =	vmul.f32 v22, v18  }
0xe2: {  	v10 =	vadd.f32 v10, v9  }
0xe3: {  	s25 =	simm.s32 $0x10;
	v9 =	vperm.xlane v21, v5;
	v19 =	vadd.f32 v20, v19  }
0xe4: {  	s30 =	simm.s32 $0x0;
	s23 =	sand.u32 $0x70, s25;
	[tilespmem:s24+$0x12480] =	vst v10;
	v20 =	vsub.f32 v10, v23  }
0xe5: {  	s29 =	sor.u32 s23, s30;
	v9 =	vadd.f32 v9, v21;
	[tilespmem:s24+$0x11480] =	vst v19  }
0xe6: {  	s28 =	sor.u32 s30, s25;
	v21 =	vld [tilespmem:s29+$0xA400];
	v20 =	vmul.f32 v20, v20  }
0xe7: {  	s26 =	simm.s32 $0x2;
	s28 =	sor.u32 $0x2380, s28;
	v19 =	vimm.f32 $0.0e+00;
	s24 =	simm.s32 $0x0;
	v10 =	vperm.xlane v9, v7;
	v22 =	vld [tilespmem:s29+$0x2400]  }
.LBB2_5:
0xe8: {  	p0 =	sne.s32 s26, $0x3F;
	v23 =	vld [tilespmem:s29+$0xA480];
	v19 =	vadd.f32 v20, v19;
	s30 =	smov.u32 s26;
	s26 =	sadd.s32 $0x1, s26  }
0xe9: {  	v20 =	vld [tilespmem:s29+$0x2480]  }
0xea: {  	v24 =	vld [tilespmem:s29+$0xA500]  }
0xeb: {  	v21 =	vmul.f32 v21, v14;
	v25 =	vld [tilespmem:s29+$0x2500]  }
0xec: {  	v22 =	vmul.f32 v22, v14;
	v26 =	vld [tilespmem:s29+$0xA580]  }
0xed: {  	v21 =	vadd.f32 $0.0e+00, v21;
	v23 =	vmul.f32 v23, v11;
	v27 =	vld [tilespmem:s29+$0x2580]  }
0xee: {  	v22 =	vadd.f32 $0.0e+00, v22;
	v20 =	vmul.f32 v20, v11;
	v28 =	vld [tilespmem:s29+$0xA600]  }
0xef: {  	v21 =	vadd.f32 v23, v21;
	v23 =	vmul.f32 v24, v12;
	v24 =	vld [tilespmem:s29+$0x2600]  }
0xf0: {  	v20 =	vadd.f32 v20, v22;
	v22 =	vmul.f32 v25, v12;
	v25 =	vld [tilespmem:s29+$0xA680]  }
0xf1: {  	v21 =	vadd.f32 v23, v21;
	v23 =	vmul.f32 v26, v13;
	v26 =	vld [tilespmem:s29+$0x2680]  }
0xf2: {  	v20 =	vadd.f32 v22, v20;
	v22 =	vmul.f32 v27, v13;
	v27 =	vld [tilespmem:s29+$0xA700]  }
0xf3: {  	v21 =	vadd.f32 v23, v21;
	v23 =	vmul.f32 v28, v15;
	v28 =	vld [tilespmem:s29+$0x2700]  }
0xf4: {  	v20 =	vadd.f32 v22, v20;
	v22 =	vmul.f32 v24, v15;
	v24 =	vld [tilespmem:s28+$0x8400]  }
0xf5: {  	v21 =	vadd.f32 v23, v21;
	v23 =	vmul.f32 v25, v16;
	v25 =	vld [tilespmem:s28+$0x400]  }
0xf6: {  	v20 =	vadd.f32 v22, v20;
	v22 =	vmul.f32 v26, v16  }
0xf7: {  	s28 =	sor.u32 s23, s24;
	v21 =	vadd.f32 v23, v21;
	v23 =	vmul.f32 v27, v17  }
0xf8: {  	v20 =	vadd.f32 v22, v20;
	v22 =	vmul.f32 v28, v17;
	v26 =	vld [tilespmem:s28+$0x10480]  }
0xf9: {  	v21 =	vadd.f32 v23, v21;
	v23 =	vmul.f32 v24, v18  }
0xfa: {  	v20 =	vadd.f32 v22, v20;
	v22 =	vmul.f32 v25, v18  }
0xfb: {  	v21 =	vadd.f32 v23, v21  }
.Ltmp1:
0xfc: {  	s25 =	sadd.s32 $0x10, s25;
	s24 =	sshrl.u32 s30, $0x3;
	v20 =	vadd.f32 v22, v20;
	(pc) =	sbr.rel @p0 .LBB2_5-.Ltmp1, $4  }
0xfd: {  	s23 =	sand.u32 $0x70, s25;
	s30 =	sshll.u32 s24, $0xA;
	s24 =	sshll.u32 s24, $0x9;
	[tilespmem:s28+$0x12480] =	vst v21;
	v22 =	vsub.f32 v21, v26  }
0xfe: {  	s29 =	sor.u32 s23, s30;
	s30 =	sor.u32 s30, s25;
	[tilespmem:s28+$0x11480] =	vst v20  }
0xff: {  	s28 =	sor.u32 $0x2380, s30;
	v21 =	vld [tilespmem:s29+$0xA400];
	v20 =	vmul.f32 v22, v22  }
0x100: {  	v22 =	vld [tilespmem:s29+$0x2400]  }
0x101: {  	v23 =	vld [tilespmem:s29+$0xA480]  }
0x102: {  	v24 =	vld [tilespmem:s29+$0x2480]  }
0x103: {  	v25 =	vld [tilespmem:s29+$0xA500]  }
0x104: {  	v26 =	vld [tilespmem:s29+$0x2500];
	v21 =	vmul.f32 v21, v14  }
0x105: {  	v14 =	vmul.f32 v22, v14;
	v22 =	vld [tilespmem:s29+$0xA580]  }
0x106: {  	v27 =	vld [tilespmem:s29+$0x2580];
	v21 =	vadd.f32 $0.0e+00, v21;
	v23 =	vmul.f32 v23, v11  }
0x107: {  	v11 =	vmul.f32 v24, v11;
	v24 =	vld [tilespmem:s29+$0xA600];
	v14 =	vadd.f32 $0.0e+00, v14  }
0x108: {  	v21 =	vadd.f32 v23, v21;
	v23 =	vmul.f32 v25, v12;
	v25 =	vld [tilespmem:s29+$0x2600]  }
0x109: {  	v12 =	vmul.f32 v26, v12;
	v11 =	vadd.f32 v11, v14;
	v14 =	vld [tilespmem:s29+$0xA680]  }
0x10a: {  	v21 =	vadd.f32 v23, v21;
	v22 =	vmul.f32 v22, v13;
	v23 =	vld [tilespmem:s29+$0x2680]  }
0x10b: {  	v11 =	vadd.f32 v12, v11;
	v12 =	vmul.f32 v27, v13;
	v13 =	vld [tilespmem:s29+$0xA700]  }
0x10c: {  	v21 =	vadd.f32 v22, v21;
	v22 =	vmul.f32 v24, v15;
	v24 =	vld [tilespmem:s29+$0x2700]  }
0x10d: {  	v11 =	vadd.f32 v12, v11;
	v12 =	vmul.f32 v25, v15;
	v15 =	vld [tilespmem:s28+$0x8400]  }
0x10e: {  	v21 =	vadd.f32 v22, v21;
	v14 =	vmul.f32 v14, v16;
	v22 =	vld [tilespmem:s28+$0x400]  }
0x10f: {  	v11 =	vadd.f32 v12, v11;
	v12 =	vmul.f32 v23, v16  }
0x110: {  	v14 =	vadd.f32 v14, v21;
	v13 =	vmul.f32 v13, v17  }
0x111: {  	v11 =	vadd.f32 v12, v11;
	v12 =	vmul.f32 v24, v17  }
0x112: {  	v13 =	vadd.f32 v13, v14;
	v14 =	vmul.f32 v15, v18  }
0x113: {  	v11 =	vadd.f32 v12, v11;
	v12 =	vmul.f32 v22, v18  }
0x114: {  	v16 =	vadd.f32 v14, v13  }
0x115: {  	s23 =	sor.u32 s23, s24;
	v11 =	vadd.f32 v12, v11  }
0x116: {  	[tilespmem:s23+$0x12480] =	vst v16  }
0x117: {  	s29 =	simm.s32 $0x0;
	[tilespmem:s23+$0x11480] =	vst v11  }
0x118: {  	s25 =	simm.s32 $0x0;
	s30 =	sand.u32 $0x70, s29;
	v13 =	vld [tilespmem:s22+$0x210]  }
0x119: {  	s26 =	sor.u32 s30, s25;
	v11 =	vld [tilespmem:s23+$0x10480]  }
0x11a: {  	v12 =	vld [tilespmem:s26+$0xC400]  }
0x11b: {  	v15 =	vld [tilespmem:s26+$0x4400]  }
0x11c: {  	v18 =	vld [tilespmem:s26+$0xC480]  }
0x11d: {  	v21 =	vld [tilespmem:s26+$0x4480];
	v17 =	vbroadcast v13, $0x0  }
0x11e: {  	v22 =	vld [tilespmem:s26+$0xC500]  }
0x11f: {  	v23 =	vld [tilespmem:s26+$0x4500];
	v14 =	vbroadcast v13, $0x1;
	v12 =	vmul.f32 v12, v17  }
0x120: {  	v19 =	vadd.f32 v20, v19;
	v24 =	vld [tilespmem:s26+$0xC580];
	v20 =	vmul.f32 v15, v17  }
0x121: {  	v25 =	vld [tilespmem:s26+$0x4580];
	v15 =	vbroadcast v13, $0x2;
	v18 =	vmul.f32 v18, v14;
	v12 =	vadd.f32 $0.0e+00, v12  }
0x122: {  	v26 =	vld [tilespmem:s26+$0xC600];
	v11 =	vsub.f32 v16, v11;
	v21 =	vmul.f32 v21, v14;
	v20 =	vadd.f32 $0.0e+00, v20  }
0x123: {  	v27 =	vld [tilespmem:s26+$0x4600];
	v16 =	vbroadcast v13, $0x3;
	v22 =	vmul.f32 v22, v15;
	v12 =	vadd.f32 v18, v12  }
0x124: {  	v11 =	vmul.f32 v11, v11;
	v20 =	vadd.f32 v21, v20;
	v21 =	vmul.f32 v23, v15;
	v23 =	vld [tilespmem:s26+$0xC680]  }
0x125: {  	v18 =	vbroadcast v13, $0x4;
	v12 =	vadd.f32 v22, v12;
	v22 =	vmul.f32 v24, v16;
	v24 =	vld [tilespmem:s26+$0x4680]  }
0x126: {  	s24 =	sor.u32 s25, s29;
	v11 =	vadd.f32 v11, v19;
	v20 =	vadd.f32 v21, v20;
	v21 =	vmul.f32 v25, v16;
	v25 =	vld [tilespmem:s26+$0xC700]  }
0x127: {  	s24 =	sor.u32 $0x4380, s24;
	v19 =	vbroadcast v13, $0x5;
	v12 =	vadd.f32 v22, v12;
	v22 =	vmul.f32 v26, v18;
	v26 =	vld [tilespmem:s26+$0x4700]  }
0x128: {  	v29 =	vld [tilespmem:s24+$0x8400];
	v28 =	vperm.xlane v11, v1;
	v27 =	vmul.f32 v27, v18;
	v21 =	vadd.f32 v21, v20  }
0x129: {  	v20 =	vbroadcast v13, $0x6;
	v12 =	vadd.f32 v22, v12;
	v22 =	vmul.f32 v23, v19;
	v23 =	vld [tilespmem:s24+$0x400]  }
0x12a: {  	s29 =	simm.s32 $0x0;
	v11 =	vadd.f32 v28, v11;
	v27 =	vadd.f32 v27, v21;
	v24 =	vmul.f32 v24, v19  }
0x12b: {  	s23 =	sor.u32 s30, s29;
	v21 =	vbroadcast v13, $0x7;
	v12 =	vadd.f32 v22, v12;
	v22 =	vmul.f32 v25, v20  }
0x12c: {  	v25 =	vperm.xlane v11, v2;
	v24 =	vadd.f32 v24, v27;
	v26 =	vmul.f32 v26, v20;
	v27 =	vld [tilespmem:s23+$0x10500]  }
0x12d: {  	v12 =	vadd.f32 v22, v12;
	v22 =	vmul.f32 v29, v21  }
0x12e: {  	v11 =	vadd.f32 v25, v11;
	v24 =	vadd.f32 v26, v24;
	v23 =	vmul.f32 v23, v21  }
0x12f: {  	v12 =	vadd.f32 v22, v12  }
0x130: {  	s24 =	simm.s32 $0x10;
	v22 =	vperm.xlane v11, v5;
	v23 =	vadd.f32 v23, v24  }
0x131: {  	s30 =	simm.s32 $0x0;
	s22 =	sand.u32 $0x70, s24;
	[tilespmem:s23+$0x12500] =	vst v12;
	v25 =	vsub.f32 v12, v27  }
0x132: {  	s28 =	sor.u32 s22, s30;
	v11 =	vadd.f32 v22, v11;
	[tilespmem:s23+$0x11500] =	vst v23  }
0x133: {  	s26 =	sor.u32 s30, s24;
	v24 =	vld [tilespmem:s28+$0xC400];
	v23 =	vmul.f32 v25, v25  }
0x134: {  	s25 =	simm.s32 $0x2;
	s26 =	sor.u32 $0x4380, s26;
	v22 =	vimm.f32 $0.0e+00;
	s23 =	simm.s32 $0x0;
	v12 =	vperm.xlane v11, v7;
	v25 =	vld [tilespmem:s28+$0x4400]  }
.LBB2_7:
0x135: {  	p0 =	sne.s32 s25, $0x3F;
	v26 =	vld [tilespmem:s28+$0xC480];
	v22 =	vadd.f32 v23, v22;
	s29 =	smov.u32 s25;
	s25 =	sadd.s32 $0x1, s25  }
0x136: {  	v23 =	vld [tilespmem:s28+$0x4480]  }
0x137: {  	v27 =	vld [tilespmem:s28+$0xC500]  }
0x138: {  	v24 =	vmul.f32 v24, v17;
	v28 =	vld [tilespmem:s28+$0x4500]  }
0x139: {  	v25 =	vmul.f32 v25, v17;
	v29 =	vld [tilespmem:s28+$0xC580]  }
0x13a: {  	v24 =	vadd.f32 $0.0e+00, v24;
	v26 =	vmul.f32 v26, v14;
	v30 =	vld [tilespmem:s28+$0x4580]  }
0x13b: {  	v25 =	vadd.f32 $0.0e+00, v25;
	v23 =	vmul.f32 v23, v14;
	v31 =	vld [tilespmem:s28+$0xC600]  }
0x13c: {  	v24 =	vadd.f32 v26, v24;
	v26 =	vmul.f32 v27, v15;
	v27 =	vld [tilespmem:s28+$0x4600]  }
0x13d: {  	v23 =	vadd.f32 v23, v25;
	v25 =	vmul.f32 v28, v15;
	v28 =	vld [tilespmem:s28+$0xC680]  }
0x13e: {  	v24 =	vadd.f32 v26, v24;
	v26 =	vmul.f32 v29, v16;
	v29 =	vld [tilespmem:s28+$0x4680]  }
0x13f: {  	v23 =	vadd.f32 v25, v23;
	v25 =	vmul.f32 v30, v16;
	v30 =	vld [tilespmem:s28+$0xC700]  }
0x140: {  	v24 =	vadd.f32 v26, v24;
	v26 =	vmul.f32 v31, v18;
	v31 =	vld [tilespmem:s28+$0x4700]  }
0x141: {  	v23 =	vadd.f32 v25, v23;
	v25 =	vmul.f32 v27, v18;
	v27 =	vld [tilespmem:s26+$0x8400]  }
0x142: {  	v24 =	vadd.f32 v26, v24;
	v26 =	vmul.f32 v28, v19;
	v28 =	vld [tilespmem:s26+$0x400]  }
0x143: {  	v23 =	vadd.f32 v25, v23;
	v25 =	vmul.f32 v29, v19  }
0x144: {  	s26 =	sor.u32 s22, s23;
	v24 =	vadd.f32 v26, v24;
	v26 =	vmul.f32 v30, v20  }
0x145: {  	v23 =	vadd.f32 v25, v23;
	v25 =	vmul.f32 v31, v20;
	v29 =	vld [tilespmem:s26+$0x10500]  }
0x146: {  	v24 =	vadd.f32 v26, v24;
	v26 =	vmul.f32 v27, v21  }
0x147: {  	v23 =	vadd.f32 v25, v23;
	v25 =	vmul.f32 v28, v21  }
0x148: {  	v24 =	vadd.f32 v26, v24  }
.Ltmp2:
0x149: {  	s24 =	sadd.s32 $0x10, s24;
	s23 =	sshrl.u32 s29, $0x3;
	v23 =	vadd.f32 v25, v23;
	(pc) =	sbr.rel @p0 .LBB2_7-.Ltmp2, $4  }
0x14a: {  	s22 =	sand.u32 $0x70, s24;
	s29 =	sshll.u32 s23, $0xA;
	s23 =	sshll.u32 s23, $0x9;
	[tilespmem:s26+$0x12500] =	vst v24;
	v25 =	vsub.f32 v24, v29  }
0x14b: {  	s28 =	sor.u32 s22, s29;
	s29 =	sor.u32 s29, s24;
	[tilespmem:s26+$0x11500] =	vst v23  }
0x14c: {  	s26 =	sor.u32 $0x4380, s29;
	v24 =	vld [tilespmem:s28+$0xC400];
	v23 =	vmul.f32 v25, v25  }
0x14d: {  	v25 =	vld [tilespmem:s28+$0x4400]  }
0x14e: {  	v26 =	vld [tilespmem:s28+$0xC480]  }
0x14f: {  	v27 =	vld [tilespmem:s28+$0x4480]  }
0x150: {  	v28 =	vld [tilespmem:s28+$0xC500]  }
0x151: {  	v29 =	vld [tilespmem:s28+$0x4500];
	v24 =	vmul.f32 v24, v17  }
0x152: {  	v17 =	vmul.f32 v25, v17;
	v25 =	vld [tilespmem:s28+$0xC580]  }
0x153: {  	v30 =	vld [tilespmem:s28+$0x4580];
	v24 =	vadd.f32 $0.0e+00, v24;
	v26 =	vmul.f32 v26, v14  }
0x154: {  	v14 =	vmul.f32 v27, v14;
	v27 =	vld [tilespmem:s28+$0xC600];
	v17 =	vadd.f32 $0.0e+00, v17  }
0x155: {  	v58 =	vld [tilespmem:s28+$0x4600];
	v24 =	vadd.f32 v26, v24;
	v26 =	vmul.f32 v28, v15  }
0x156: {  	v15 =	vmul.f32 v29, v15;
	v14 =	vadd.f32 v14, v17;
	v17 =	vld [tilespmem:s28+$0xC680]  }
0x157: {  	v24 =	vadd.f32 v26, v24;
	v25 =	vmul.f32 v25, v16;
	v26 =	vld [tilespmem:s28+$0x4680]  }
0x158: {  	v14 =	vadd.f32 v15, v14;
	v15 =	vmul.f32 v30, v16;
	v16 =	vld [tilespmem:s28+$0xC700]  }
0x159: {  	v24 =	vadd.f32 v25, v24;
	v25 =	vmul.f32 v27, v18;
	v27 =	vld [tilespmem:s28+$0x4700]  }
0x15a: {  	v14 =	vadd.f32 v15, v14;
	v15 =	vmul.f32 v58, v18;
	v18 =	vld [tilespmem:s26+$0x8400]  }
0x15b: {  	v24 =	vadd.f32 v25, v24;
	v17 =	vmul.f32 v17, v19;
	v25 =	vld [tilespmem:s26+$0x400]  }
0x15c: {  	v14 =	vadd.f32 v15, v14;
	v15 =	vmul.f32 v26, v19  }
0x15d: {  	v17 =	vadd.f32 v17, v24;
	v16 =	vmul.f32 v16, v20  }
0x15e: {  	v14 =	vadd.f32 v15, v14;
	v15 =	vmul.f32 v27, v20  }
0x15f: {  	v16 =	vadd.f32 v16, v17;
	v17 =	vmul.f32 v18, v21  }
0x160: {  	v14 =	vadd.f32 v15, v14;
	v15 =	vmul.f32 v25, v21  }
0x161: {  	v17 =	vadd.f32 v17, v16  }
0x162: {  	s23 =	sor.u32 s22, s23;
	s24 =	simm.s32 $0x0;
	v14 =	vadd.f32 v15, v14  }
0x163: {  	s25 =	simm.s32 $0x0;
	s29 =	sand.u32 $0x70, s24;
	[tilespmem:s23+$0x12500] =	vst v17  }
0x164: {  	s30 =	sor.u32 s29, s25;
	v18 =	vld [tilespmem:s23+$0x10500];
	[tilespmem:s23+$0x11500] =	vst v14  }
0x165: {  	v14 =	vld [tilespmem:s30+$0xE400]  }
0x166: {  	v19 =	vld [tilespmem:s30+$0x6400]  }
0x167: {  	v20 =	vld [tilespmem:s30+$0xE480]  }
0x168: {  	v16 =	vbroadcast v13, $0x8;
	v21 =	vld [tilespmem:s30+$0x6480]  }
0x169: {  	v24 =	vld [tilespmem:s30+$0xE500]  }
0x16a: {  	v15 =	vbroadcast v13, $0x9;
	v26 =	vld [tilespmem:s30+$0x6500];
	v25 =	vmul.f32 v14, v16  }
0x16b: {  	v22 =	vadd.f32 v23, v22;
	v23 =	vld [tilespmem:s30+$0xE580];
	v19 =	vmul.f32 v19, v16  }
0x16c: {  	v27 =	vld [tilespmem:s30+$0x6580];
	v14 =	vbroadcast v13, $0xA;
	v20 =	vmul.f32 v20, v15;
	v25 =	vadd.f32 $0.0e+00, v25  }
0x16d: {  	v18 =	vsub.f32 v17, v18;
	v59 =	vld [tilespmem:s30+$0xE600];
	v21 =	vmul.f32 v21, v15;
	v19 =	vadd.f32 $0.0e+00, v19  }
0x16e: {  	v17 =	vbroadcast v13, $0xB;
	v24 =	vmul.f32 v24, v14;
	v20 =	vadd.f32 v20, v25;
	v25 =	vld [tilespmem:s30+$0x6600]  }
0x16f: {  	v60 =	vmul.f32 v18, v18;
	v19 =	vadd.f32 v21, v19;
	v21 =	vmul.f32 v26, v14;
	v26 =	vld [tilespmem:s30+$0xE680]  }
0x170: {  	v18 =	vbroadcast v13, $0xC;
	v23 =	vmul.f32 v23, v17;
	v20 =	vadd.f32 v24, v20;
	v24 =	vld [tilespmem:s30+$0x6680]  }
0x171: {  	s24 =	sor.u32 s25, s24;
	v61 =	vld [tilespmem:s30+$0xE700];
	v22 =	vadd.f32 v60, v22;
	v27 =	vmul.f32 v27, v17;
	v21 =	vadd.f32 v21, v19  }
0x172: {  	s24 =	sor.u32 $0x6380, s24;
	v62 =	vld [tilespmem:s30+$0x6700];
	v28 =	vmul.f32 v59, v18;
	v19 =	vbroadcast v13, $0xD;
	v23 =	vadd.f32 v23, v20  }
0x173: {  	v31 =	vperm.xlane v22, v1;
	v21 =	vadd.f32 v27, v21;
	v27 =	vld [tilespmem:s24+$0x8400];
	v25 =	vmul.f32 v25, v18  }
0x174: {  	v63 =	vld [tilespmem:s24+$0x400];
	v20 =	vbroadcast v13, $0xE;
	v26 =	vmul.f32 v26, v19;
	v23 =	vadd.f32 v28, v23  }
0x175: {  	s25 =	simm.s32 $0x0;
	v31 =	vadd.f32 v31, v22;
	v21 =	vadd.f32 v25, v21;
	v24 =	vmul.f32 v24, v19  }
0x176: {  	s26 =	sor.u32 s29, s25;
	v22 =	vbroadcast v13, $0xF;
	v13 =	vadd.f32 v26, v23;
	v23 =	vmul.f32 v61, v20  }
0x177: {  	v25 =	vperm.xlane v31, v2;
	v26 =	vld [tilespmem:s26+$0x10580];
	v21 =	vadd.f32 v24, v21;
	v24 =	vmul.f32 v62, v20  }
0x178: {  	v13 =	vadd.f32 v23, v13;
	v23 =	vmul.f32 v27, v22  }
0x179: {  	v25 =	vadd.f32 v25, v31;
	v21 =	vadd.f32 v24, v21;
	v24 =	vmul.f32 v63, v22  }
0x17a: {  	v23 =	vadd.f32 v23, v13  }
0x17b: {  	s23 =	simm.s32 $0x10;
	v13 =	vperm.xlane v25, v5;
	v21 =	vadd.f32 v24, v21  }
0x17c: {  	s29 =	simm.s32 $0x0;
	s22 =	sand.u32 $0x70, s23;
	[tilespmem:s26+$0x12580] =	vst v23;
	v24 =	vsub.f32 v23, v26  }
0x17d: {  	s24 =	sor.u32 s22, s29;
	v13 =	vadd.f32 v13, v25;
	[tilespmem:s26+$0x11580] =	vst v21  }
0x17e: {  	s30 =	sor.u32 s29, s23;
	v26 =	vld [tilespmem:s24+$0xE400];
	v24 =	vmul.f32 v24, v24  }
0x17f: {  	s28 =	simm.s32 $0x2;
	s25 =	sor.u32 $0x6380, s30;
	v23 =	vimm.f32 $0.0e+00;
	s26 =	simm.s32 $0x0;
	v21 =	vperm.xlane v13, v7;
	v25 =	vld [tilespmem:s24+$0x6400]  }
.LBB2_9:
0x180: {  	p0 =	sne.s32 s28, $0x3F;
	v27 =	vld [tilespmem:s24+$0xE480];
	v23 =	vadd.f32 v24, v23;
	s29 =	smov.u32 s28;
	s28 =	sadd.s32 $0x1, s28  }
0x181: {  	v24 =	vld [tilespmem:s24+$0x6480]  }
0x182: {  	v28 =	vld [tilespmem:s24+$0xE500]  }
0x183: {  	v26 =	vmul.f32 v26, v16;
	v29 =	vld [tilespmem:s24+$0x6500]  }
0x184: {  	v25 =	vmul.f32 v25, v16;
	v30 =	vld [tilespmem:s24+$0xE580]  }
0x185: {  	v26 =	vadd.f32 $0.0e+00, v26;
	v27 =	vmul.f32 v27, v15;
	v31 =	vld [tilespmem:s24+$0x6580]  }
0x186: {  	v25 =	vadd.f32 $0.0e+00, v25;
	v24 =	vmul.f32 v24, v15;
	v32 =	vld [tilespmem:s24+$0xE600]  }
0x187: {  	v26 =	vadd.f32 v27, v26;
	v27 =	vmul.f32 v28, v14;
	v28 =	vld [tilespmem:s24+$0x6600]  }
0x188: {  	v24 =	vadd.f32 v24, v25;
	v25 =	vmul.f32 v29, v14;
	v29 =	vld [tilespmem:s24+$0xE680]  }
0x189: {  	v26 =	vadd.f32 v27, v26;
	v27 =	vmul.f32 v30, v17;
	v30 =	vld [tilespmem:s24+$0x6680]  }
0x18a: {  	v24 =	vadd.f32 v25, v24;
	v25 =	vmul.f32 v31, v17;
	v31 =	vld [tilespmem:s24+$0xE700]  }
0x18b: {  	v26 =	vadd.f32 v27, v26;
	v27 =	vmul.f32 v32, v18;
	v32 =	vld [tilespmem:s24+$0x6700]  }
0x18c: {  	v24 =	vadd.f32 v25, v24;
	v25 =	vmul.f32 v28, v18;
	v28 =	vld [tilespmem:s25+$0x8400]  }
0x18d: {  	v26 =	vadd.f32 v27, v26;
	v27 =	vmul.f32 v29, v19;
	v29 =	vld [tilespmem:s25+$0x400]  }
0x18e: {  	v24 =	vadd.f32 v25, v24;
	v25 =	vmul.f32 v30, v19  }
0x18f: {  	s25 =	sor.u32 s22, s26;
	v26 =	vadd.f32 v27, v26;
	v27 =	vmul.f32 v31, v20  }
0x190: {  	v24 =	vadd.f32 v25, v24;
	v25 =	vmul.f32 v32, v20;
	v30 =	vld [tilespmem:s25+$0x10580]  }
0x191: {  	v26 =	vadd.f32 v27, v26;
	v27 =	vmul.f32 v28, v22  }
0x192: {  	v24 =	vadd.f32 v25, v24;
	v25 =	vmul.f32 v29, v22  }
0x193: {  	v26 =	vadd.f32 v27, v26  }
.Ltmp3:
0x194: {  	s23 =	sadd.s32 $0x10, s23;
	s24 =	sshrl.u32 s29, $0x3;
	v24 =	vadd.f32 v25, v24;
	(pc) =	sbr.rel @p0 .LBB2_9-.Ltmp3, $4  }
0x195: {  	s29 =	sshll.u32 s24, $0xA;
	s22 =	sand.u32 $0x70, s23;
	s26 =	sshll.u32 s24, $0x9;
	[tilespmem:s25+$0x12580] =	vst v26;
	v25 =	vsub.f32 v26, v30  }
0x196: {  	s24 =	sor.u32 s22, s29;
	s29 =	sor.u32 s29, s23;
	[tilespmem:s25+$0x11580] =	vst v24  }
0x197: {  	s25 =	sor.u32 $0x6380, s29;
	v26 =	vld [tilespmem:s24+$0xE400];
	v24 =	vmul.f32 v25, v25  }
0x198: {  	v25 =	vld [tilespmem:s24+$0x6400]  }
0x199: {  	v27 =	vld [tilespmem:s24+$0xE480];
	_ =	sdelay $0x1  }
0x19a: {  	v28 =	vld [tilespmem:s24+$0xE500]  }
0x19b: {  	v26 =	vmul.f32 v26, v16  }
0x19c: {  	v29 =	vld [tilespmem:s24+$0xE580]  }
0x19d: {  	v26 =	vadd.f32 $0.0e+00, v26;
	v27 =	vmul.f32 v27, v15  }
0x19e: {  	v30 =	vld [tilespmem:s24+$0xE600]  }
0x19f: {  	v34 =	vmul.f32 v28, v14;
	v26 =	vadd.f32 v27, v26  }
0x1a0: {  	v35 =	vld [tilespmem:s24+$0xE680]  }
0x1a1: {  	v37 =	vld [tilespmem:s24+$0xE700];
	v36 =	vmul.f32 v29, v17;
	v26 =	vadd.f32 v34, v26  }
0x1a2: {  	v31 =	vld [tilespmem:s24+$0x6480]  }
0x1a3: {  	v39 =	vld [tilespmem:s25+$0x8400];
	v38 =	vmul.f32 v30, v18;
	v26 =	vadd.f32 v36, v26  }
0x1a4: {  	v41 =	vld [tilespmem:s24+$0x6500]  }
0x1a5: {  	v42 =	vmul.f32 v25, v16;
	v40 =	vmul.f32 v35, v19;
	v26 =	vadd.f32 v38, v26  }
0x1a6: {  	v44 =	vld [tilespmem:s24+$0x6580];
	v45 =	vmul.f32 v37, v20  }
0x1a7: {  	s22 =	sor.u32 s22, s26;
	v49 =	vld [tilespmem:s24+$0x6600];
	v46 =	vmul.f32 v31, v15;
	v16 =	vadd.f32 $0.0e+00, v42;
	v43 =	vadd.f32 v40, v26  }
0x1a8: {  	v47 =	vld [tilespmem:s22+$0x10580];
	v48 =	vmul.f32 v39, v22  }
0x1a9: {  	v50 =	vmul.f32 v41, v14;
	v15 =	vadd.f32 v46, v16;
	v25 =	vadd.f32 v45, v43  }
0x1aa: {  	v52 =	vld [tilespmem:s24+$0x6680]  }
0x1ab: {  	v53 =	vmul.f32 v44, v17;
	v14 =	vadd.f32 v50, v15;
	v51 =	vadd.f32 v48, v25  }
0x1ac: {  	v55 =	vld [tilespmem:s24+$0x6700]  }
0x1ad: {  	v56 =	vmul.f32 v49, v18;
	v14 =	vadd.f32 v53, v14;
	v54 =	vsub.f32 v51, v47  }
0x1ae: {  	v23 =	vadd.f32 v24, v23;
	v57 =	vld [tilespmem:s25+$0x400]  }
0x1af: {  	v58 =	vmul.f32 v52, v19;
	v14 =	vadd.f32 v56, v14;
	v17 =	vmul.f32 v54, v54;
	_ =	sdelay $0x1  }
0x1b0: {  	v59 =	vmul.f32 v55, v20;
	v14 =	vadd.f32 v58, v14;
	v17 =	vadd.f32 v17, v23;
	_ =	sdelay $0x1  }
0x1b1: {  	v61 =	vmul.f32 v57, v22;
	v14 =	vadd.f32 v59, v14;
	v60 =	vperm.xlane v17, v1;
	_ =	sdelay $0x1  }
0x1b2: {  	v14 =	vadd.f32 v61, v14;
	v17 =	vadd.f32 v60, v17  }
0x1b3: {  	s23 =	rddreg [dreg:$0x4];
	[tilespmem:s22+$0x12580] =	vst v51  }
0x1b4: {  	[tilespmem:s22+$0x11580] =	vst v14;
	s22 =	sadd.s32 s23, s6;
	v62 =	vperm.xlane v17, v2  }
0x1b5: {  	[hbm4b:s22+s20] =	stream.strided.scatter [tilespmem:s7], [sflag:$0x3], $0x1000, s21, s20, $0x38;
	[tilespmem:$0x13480] =	vst v63  }
0x1b6: {  	_ =	swait.ge [sflag:s19], $0x1000;
	v63 =	vadd.f32 v62, v17  }
0x1b7: {  	s24 =	sshll.u32 s4, $0x2;
	[sflag:s19] =	ssyncset.done $0x0  }
0x1b8: {  	s29 =	sand.u32 $0x3, s4;
	s22 =	sand.u32 $0xC, s24;
	[sflag:s19] =	ssyncadd.s32 $0xFFFFF000;
	v15 =	vperm.xlane v63, v5  }
0x1b9: {  	p0 =	sne.s32 s29, $0x3;
	s23 =	sor.u32 $0x1, s22;
	s25 =	rddreg [dreg:$0x5]  }
0x1ba: {  	v9 =	vadd.f32 v10, v9;
	v10 =	vmov s22;
	s26 =	sadd.s32 s25, s6;
	s6 =	sshll.u32 @!p0 s4, $0x2;
	s4 =	sadd.s32 $0x1, s4;
	v14 =	vadd.f32 v15, v63  }
0x1bb: {  	vm1 =	veq.s32 v10, v0;
	v10 =	vadd.f32 v12, v11;
	v11 =	vmov s23;
	[hbm4b:s26+s20] =	stream.strided.scatter [tilespmem:s3], [sflag:$0x3], $0x1000, s21, s20, $0x38;
	[tilespmem:$0x13480] =	vst v63  }
0x1bc: {  	s28 =	sor.u32 $0x2, s22;
	v8 =	vsel vm1, v9, v8;
	vm1 =	veq.s32 v11, v0;
	p1 =	sne.s32 s4, $0x10;
	v9 =	vperm.xlane v14, v7  }
.Ltmp4:
0x1bd: {  	s30 =	sor.u32 $0x3, s22;
	v11 =	vmov s28;
	v8 =	vsel vm1, v10, v8;
	v10 =	vadd.f32 v21, v13;
	(pc) =	sbr.rel @p1 .LBB2_2-.Ltmp4, $4  }
0x1be: {  	vm1 =	veq.s32 v11, v0;
	v11 =	vmov s30;
	_ =	swait.ge [sflag:s19], $0x1000;
	v9 =	vadd.f32 v9, v14  }
0x1bf: {  	v8 =	vsel vm1, v10, v8;
	vm1 =	veq.s32 v11, v0;
	[sflag:s19] =	ssyncset.done $0x0  }
0x1c0: {  	s6 =	sand.u32 @!p0 $0x30, s6;
	[sflag:s19] =	ssyncadd.s32 $0xFFFFF000;
	v8 =	vsel vm1, v9, v8  }
0x1c1: {  	[tilespmem:s6+$0x13400] =	vst @!p0 v8  }
0x1c2: {  	s22 =	simm.s32 $0x0;
	s4 =	rddreg [dreg:$0xa];
	s6 =	simm.s32 $0x13400  }
0x1c3: {  	[hbm4b:s4+s22] =	stream.linear.scatter [tilespmem:s6], [sflag:$0x3], $0x40, $0x38;
	[tilespmem:$0x13480] =	vst v63  }
0x1c4: {  	_ =	swait.ge [sflag:s19], $0x40  }
0x1c5: {  	s29 =	rddreg [dreg:$0xc]  }
0x1c6: {  	s30 =	rddreg [dreg:$0xb];
	s6 =	sadd.s32 $0x1, s29  }
0x1c7: {  	p0 =	sne.s32 s6, s30  }
.Ltmp5:
0x1c8: {  	_ = 	snop;
	(pc) =	sbr.rel @p0 .LBB2_1-.Ltmp5, $3  }
0x1c9: {  	_ =	sdelay $0x1  }
0x1ca: {  	[sflag:s19] =	ssyncset.done $0x0  }
0x1cb: {  	[sflag:s19] =	ssyncadd.s32 $0xFFFFFFC0  }
0x1cc: {  	_ =	sfence.sel $0x180000  }
0x1cd: {  	[bflag:$0x0] =	sbarrier.arrive $0xFFFF  }
0x1ce: {  	_ =	strace $0x90000047  }
0x1cf: {  	s0 =	stileid.u32;
	[bflag:$0x2] =	sbarrier.arrive $0xFFFF  }
0x1d0: {  	p0 =	sne.s32 s0, $0x0;
	s0 =	rddreg [dreg:$0x7]  }
0x1d1: {  	s0 =	sadd.s32 @!p0 $0x100000, s0  }
0x1d2: {  	[sflag:s0] =	ssyncadd.tile.s32 @!p0 $0x1;
	_ =	shalt  }
.Lfunc_end2:
_tile_overlayer_lowered:
.L_overlay_start_2:
0x1d3: {  	(tag) =	ssettag $0x2  }
0x1d4: {  	s0 =	rddreg [dreg:$0x0];
	s2 =	stileid.u32  }
0x1d5: {  	s1 =	rddreg [dreg:$0x1];
	p0 =	sne.s32 s2, $0x0  }
0x1d6: {  	s3 =	rddreg [dreg:$0x2];
	[bflag:$0x3] =	sbarrier.arrive $0xFFFF;
	s2 =	simm.s32 @!p0 $0x1C03  }
0x1d7: {  	[timem:s3], [sflag:s2] =	dma.local @!p0 [hbm:s0], s1  }
0x1d8: {  	s0 =	simm.s32 @!p0 $0x3  }
0x1d9: {  	_ =	swait.ge @!p0 [sflag:s0], s1  }
0x1da: {  	s1 =	ssub.s32 @!p0 $0x0, s1;
	[sflag:s0] =	ssyncset.done @!p0 $0x0  }
0x1db: {  	[sflag:s0] =	ssyncadd.s32 @!p0 s1  }
0x1dc: {  	[bflag:$0x3] =	sbarrier.arrive $0xFFFF  }
0x1dd: {  	_ =	shalt  }

</sc_bundles>
